<compile_context>
chip_gen: v7x
topology: tpu7x:2x2x1
jax: 0.10.2.dev20260603
libtpu: 0.0.44.dev20260713+nightly
codegen_flags: <defaults>
</compile_context>

<pallas_src>
import functools

import jax
import jax.numpy as jnp
from jax import lax
from jax.experimental import pallas as pl
from jax.experimental.pallas import tpu as pltpu
from jax.experimental.pallas import tpu_sc as plsc

_DIM = 32
_K = 8192
_BN = 1024


_C = 128
_SLAB = 1024


def _chunk_argmin(dot, x2, e2, base, half):
    acc_v = (x2 - dot[:, base:base + _C]) + e2[:, base:base + _C]
    acc_j = jnp.zeros(acc_v.shape, jnp.int32)
    for c in range(1, half // _C):
        sl = slice(base + c * _C, base + (c + 1) * _C)
        dc = (x2 - dot[:, sl]) + e2[:, sl]
        le = acc_v <= dc
        acc_j = jnp.where(le, acc_j, c * _C)
        acc_v = jnp.minimum(acc_v, dc)
    m = jnp.min(acc_v, axis=1)
    lane = jax.lax.broadcasted_iota(jnp.int32, acc_v.shape, 1)
    cand = jnp.where(acc_v == m[:, None], acc_j + lane, _K)
    idx = jnp.min(cand, axis=1)
    return m, idx


def _dist_argmin_body(x_ref, e_ref, e2_ref, ind_ref, dsum_ref):
    x = x_ref[...]
    e2 = e2_ref[...]
    x2 = jnp.sum(x * x, axis=1, keepdims=True)
    dot = jnp.dot(x, e_ref[...])
    half = _K // 2
    psum = jnp.float32(0.0)
    for r in range(0, _BN, _SLAB):
        rows = slice(r, r + _SLAB)
        dot_s, x2_s = dot[rows], x2[rows]
        m0, i0 = _chunk_argmin(dot_s, x2_s, e2, 0, half)
        m1, i1 = _chunk_argmin(dot_s, x2_s, e2, half, half)
        m0r = m0.astype(jnp.bfloat16).astype(jnp.float32)
        win1 = m1 < m0r
        ind_ref[rows] = jnp.where(win1, i1 + half, i0)
        mind = jnp.where(win1, m1, m0)
        psum += jnp.sum(mind)
    dsum_ref[...] = jnp.broadcast_to(psum.reshape(1, 1), (8, 128))


def _argmin_call(flatten, embed, e2):
    n = flatten.shape[0]
    grid = (n // _BN,)
    return pl.pallas_call(
        _dist_argmin_body,
        grid=grid,
        in_specs=[
            pl.BlockSpec((_BN, _DIM), lambda i: (i, 0)),
            pl.BlockSpec((_DIM, _K), lambda i: (0, 0)),
            pl.BlockSpec((1, _K), lambda i: (0, 0)),
        ],
        out_specs=[
            pl.BlockSpec((_BN,), lambda i: (i,)),
            pl.BlockSpec((8, 128), lambda i: (i, 0)),
        ],
        out_shape=[
            jax.ShapeDtypeStruct((n,), jnp.int32),
            jax.ShapeDtypeStruct((n // _BN * 8, 128), jnp.float32),
        ],
        compiler_params=pltpu.CompilerParams(
            dimension_semantics=("parallel",),
        ),
    )(flatten, embed, e2)


@functools.lru_cache(maxsize=None)
def _make_gather(n_rows):
    info = plsc.get_sparse_core_info()
    nc, ns = info.num_cores, info.num_subcores
    nw = nc * ns
    b_per_w = n_rows // nw
    chunk = 128
    n_chunks = b_per_w // chunk
    mesh = plsc.VectorSubcoreMesh(core_axis_name="c", subcore_axis_name="s")

    @functools.partial(
        pl.kernel,
        mesh=mesh,
        out_type=jax.ShapeDtypeStruct((n_rows, _DIM), jnp.float32),
        scratch_types=[
            pltpu.VMEM((n_chunks, chunk), jnp.int32),
            pltpu.VMEM((b_per_w, _DIM), jnp.float32),
            pltpu.SemaphoreType.DMA,
        ],
        compiler_params=pltpu.CompilerParams(use_tc_tiling_on_sc=False),
    )
    def gather(table_hbm, idx_hbm, out_hbm, idx_v, rows_v, sem):
        wid = lax.axis_index("s") * nc + lax.axis_index("c")
        base = wid * b_per_w
        pltpu.sync_copy(idx_hbm.at[pl.ds(wid * n_chunks, n_chunks)], idx_v)
        copies = [
            pltpu.make_async_copy(
                table_hbm.at[idx_v.at[j]],
                rows_v.at[pl.ds(j * chunk, chunk)],
                sem,
            )
            for j in range(n_chunks)
        ]
        for c in copies:
            c.start()
        for c in copies:
            c.wait()
        pltpu.sync_copy(rows_v, out_hbm.at[pl.ds(base, b_per_w)])

    return gather


def kernel(input, embed):
    shape = input.shape
    n = shape[0] * shape[1] * shape[2]
    flatten = input.reshape(-1, _DIM)
    e2 = jnp.sum(embed ** 2, axis=0, keepdims=True)
    ind, dsum = _argmin_call(flatten, embed + embed, e2)
    table = embed.T
    idx2d = ind.reshape(n // 128, 128)
    q = _make_gather(n)(table, idx2d)
    quantize = q.reshape(shape)
    diff = jnp.sum(dsum[::8, 0]) / jnp.float32(n * _DIM)
    quantize = input + lax.stop_gradient(quantize - input)
    embed_ind = ind.reshape(shape[:-1])
    return quantize, diff, embed_ind

# --- scband reference (transcript-rebuilt; emitter-appended) ---
"""Pipeline reference for scband-quantize-8881992368326 (READ-ONLY COPY).

The authoritative reference and input builder live on the scoring server;
editing this copy changes nothing except your own understanding.
"""

import jax, jax.numpy as jnp
import numpy as np

DIM = 32
N_EMBED = 8192

def setup_inputs(seed: int = 0) -> dict:
    key = jax.random.key(seed)
    k1, k2 = jax.random.split(key)
    inp = jax.random.normal(k1, (8, 64, 64, DIM), dtype=jnp.float32)
    embed = jax.random.normal(k2, (DIM, N_EMBED), dtype=jnp.float32)
    return {"input": inp, "embed": embed}

def reference(input, embed):
    # eval-mode forward of Quantize (EMA buffer updates only occur in training)
    flatten = input.reshape(-1, DIM)
    dist = (
        jnp.sum(flatten ** 2, axis=1, keepdims=True)
        - 2.0 * (flatten @ embed)
        + jnp.sum(embed ** 2, axis=0, keepdims=True)
    )
    embed_ind = jnp.argmax(-dist, axis=1)
    embed_ind = embed_ind.reshape(input.shape[:-1])
    # embed_code: F.embedding(embed_id, embed.T)
    quantize = jnp.take(embed.T, embed_ind, axis=0)
    diff = jnp.mean((jax.lax.stop_gradient(quantize) - input) ** 2)
    quantize = input + jax.lax.stop_gradient(quantize - input)
    return (quantize, diff, embed_ind)

if __name__ == "__main__":
    import jax
    _d = setup_inputs()
    print(jax.jit(kernel)(*tuple(_d.values())))

</pallas_src>

<mosaic_0001>
#map = affine_map<(d0, d1) -> (0, 0)>
module attributes {stable_mosaic.version = 14 : i64} {
  func.func @gather(%arg0: i32, %arg1: i32, %arg2: memref<8192x32xf32, #tpu.memory_space<hbm>>, %arg3: memref<256x128xi32, #tpu.memory_space<hbm>>, %arg4: memref<32768x32xf32, #tpu.memory_space<hbm>>, %arg5: memref<8x128xi32, #tpu.memory_space<vmem>>, %arg6: memref<1024x32xf32, #tpu.memory_space<vmem>>, %arg7: memref<!tpu.dma_semaphore, #tpu.memory_space<semaphore_mem>>) attributes {dimension_semantics = [#tpu.dimension_semantics<core_parallel>, #tpu.dimension_semantics<subcore_parallel>], iteration_bounds = array<i64: 2, 16>, scalar_prefetch = 0 : i64, scratch_operands = 3 : i64, tpu.core_type = #tpu.core_type<sc_vector_subcore>, window_params = [{transform_indices = #map}, {transform_indices = #map}, {transform_indices = #map}]} {
    %mul3A = arith.constant 2 : i32
    %mul3A_0 = arith.muli %arg1, %mul3A : i32
    %add3A = arith.addi %mul3A_0, %arg0 : i32
    %mul3A_1 = arith.constant 1024 : i32
    %mul3A_2 = arith.muli %add3A, %mul3A_1 : i32
    %mul3A_3 = arith.constant 8 : i32
    %mul3A_4 = arith.muli %add3A, %mul3A_3 : i32
    "tpu.region"() ({
      %run_scoped3A = tpu.sem_alloc : memref<!tpu.dma_semaphore, #tpu.memory_space<semaphore_mem>>
      %dma_start3A_163 = arith.constant 0 : i32
      %dma_start3A_164 = tpu.memref_slice %arg3[%mul3A_4, %dma_start3A_163] : memref<256x128xi32, #tpu.memory_space<hbm>> -> memref<8x128xi32, #tpu.memory_space<hbm>>
      %dma_start3A_165 = arith.constant 0 : i32
      %dma_start3A_166 = tpu.memref_slice %arg3[%mul3A_4, %dma_start3A_165] : memref<256x128xi32, #tpu.memory_space<hbm>> -> memref<8x128xi32, #tpu.memory_space<hbm>>
      tpu.enqueue_dma source(%dma_start3A_166 : memref<8x128xi32, #tpu.memory_space<hbm>>) target(%arg5 : memref<8x128xi32, #tpu.memory_space<vmem>>) target_semaphore(%run_scoped3A : memref<!tpu.dma_semaphore, #tpu.memory_space<semaphore_mem>>)
      %dma_wait3A_167 = arith.constant 0 : i32
      %dma_wait3A_168 = tpu.memref_slice %arg3[%mul3A_4, %dma_wait3A_167] : memref<256x128xi32, #tpu.memory_space<hbm>> -> memref<8x128xi32, #tpu.memory_space<hbm>>
      %dma_wait3A_169 = arith.constant 0 : i32
      %dma_wait3A_170 = tpu.memref_slice %arg3[%mul3A_4, %dma_wait3A_169] : memref<256x128xi32, #tpu.memory_space<hbm>> -> memref<8x128xi32, #tpu.memory_space<hbm>>
      tpu.wait_dma2 semaphore(%run_scoped3A : memref<!tpu.dma_semaphore, #tpu.memory_space<semaphore_mem>>) src(%dma_wait3A_170 : memref<8x128xi32, #tpu.memory_space<hbm>>) dst(%arg5 : memref<8x128xi32, #tpu.memory_space<vmem>>)
      tpu.yield
    }) : () -> ()
    %dma_start3A = arith.constant 0 : i32
    %dma_start3A_5 = arith.constant 0 : i32
    %dma_start3A_6 = arith.constant 0 : i32
    %dma_start3A_7 = tpu.memref_slice %arg6[%dma_start3A_5, %dma_start3A_6] : memref<1024x32xf32, #tpu.memory_space<vmem>> -> memref<128x32xf32, #tpu.memory_space<vmem>>
    %dma_start3A_8 = arith.constant 0 : i32
    %dma_start3A_9 = tpu.memref_slice %arg5[%dma_start3A, %dma_start3A_8] : memref<8x128xi32, #tpu.memory_space<vmem>> -> memref<1x128xi32, #tpu.memory_space<vmem>>
    %dma_start3A_10 = tpu.memref_squeeze %dma_start3A_9 : memref<1x128xi32, #tpu.memory_space<vmem>> -> memref<128xi32, #tpu.memory_space<vmem>>
    %dma_start3A_11 = arith.constant 0 : i32
    %dma_start3A_12 = arith.constant 0 : i32
    %dma_start3A_13 = tpu.memref_slice %arg2[%dma_start3A_11, %dma_start3A_12] : memref<8192x32xf32, #tpu.memory_space<hbm>> -> memref<8192x32xf32, #tpu.memory_space<hbm>>
    tpu.enqueue_indirect_dma source(%dma_start3A_13 : memref<8192x32xf32, #tpu.memory_space<hbm>>) target(%dma_start3A_7 : memref<128x32xf32, #tpu.memory_space<vmem>>) offsets(%dma_start3A_10 : memref<128xi32, #tpu.memory_space<vmem>>) semaphore(%arg7 : memref<!tpu.dma_semaphore, #tpu.memory_space<semaphore_mem>>)
    %dma_start3A_14 = arith.constant 1 : i32
    %dma_start3A_15 = arith.constant 128 : i32
    %dma_start3A_16 = arith.constant 0 : i32
    %dma_start3A_17 = tpu.memref_slice %arg6[%dma_start3A_15, %dma_start3A_16] : memref<1024x32xf32, #tpu.memory_space<vmem>> -> memref<128x32xf32, #tpu.memory_space<vmem>>
    %dma_start3A_18 = arith.constant 0 : i32
    %dma_start3A_19 = tpu.memref_slice %arg5[%dma_start3A_14, %dma_start3A_18] : memref<8x128xi32, #tpu.memory_space<vmem>> -> memref<1x128xi32, #tpu.memory_space<vmem>>
    %dma_start3A_20 = tpu.memref_squeeze %dma_start3A_19 : memref<1x128xi32, #tpu.memory_space<vmem>> -> memref<128xi32, #tpu.memory_space<vmem>>
    %dma_start3A_21 = arith.constant 0 : i32
    %dma_start3A_22 = arith.constant 0 : i32
    %dma_start3A_23 = tpu.memref_slice %arg2[%dma_start3A_21, %dma_start3A_22] : memref<8192x32xf32, #tpu.memory_space<hbm>> -> memref<8192x32xf32, #tpu.memory_space<hbm>>
    tpu.enqueue_indirect_dma source(%dma_start3A_23 : memref<8192x32xf32, #tpu.memory_space<hbm>>) target(%dma_start3A_17 : memref<128x32xf32, #tpu.memory_space<vmem>>) offsets(%dma_start3A_20 : memref<128xi32, #tpu.memory_space<vmem>>) semaphore(%arg7 : memref<!tpu.dma_semaphore, #tpu.memory_space<semaphore_mem>>)
    %dma_start3A_24 = arith.constant 2 : i32
    %dma_start3A_25 = arith.constant 256 : i32
    %dma_start3A_26 = arith.constant 0 : i32
    %dma_start3A_27 = tpu.memref_slice %arg6[%dma_start3A_25, %dma_start3A_26] : memref<1024x32xf32, #tpu.memory_space<vmem>> -> memref<128x32xf32, #tpu.memory_space<vmem>>
    %dma_start3A_28 = arith.constant 0 : i32
    %dma_start3A_29 = tpu.memref_slice %arg5[%dma_start3A_24, %dma_start3A_28] : memref<8x128xi32, #tpu.memory_space<vmem>> -> memref<1x128xi32, #tpu.memory_space<vmem>>
    %dma_start3A_30 = tpu.memref_squeeze %dma_start3A_29 : memref<1x128xi32, #tpu.memory_space<vmem>> -> memref<128xi32, #tpu.memory_space<vmem>>
    %dma_start3A_31 = arith.constant 0 : i32
    %dma_start3A_32 = arith.constant 0 : i32
    %dma_start3A_33 = tpu.memref_slice %arg2[%dma_start3A_31, %dma_start3A_32] : memref<8192x32xf32, #tpu.memory_space<hbm>> -> memref<8192x32xf32, #tpu.memory_space<hbm>>
    tpu.enqueue_indirect_dma source(%dma_start3A_33 : memref<8192x32xf32, #tpu.memory_space<hbm>>) target(%dma_start3A_27 : memref<128x32xf32, #tpu.memory_space<vmem>>) offsets(%dma_start3A_30 : memref<128xi32, #tpu.memory_space<vmem>>) semaphore(%arg7 : memref<!tpu.dma_semaphore, #tpu.memory_space<semaphore_mem>>)
    %dma_start3A_34 = arith.constant 3 : i32
    %dma_start3A_35 = arith.constant 384 : i32
    %dma_start3A_36 = arith.constant 0 : i32
    %dma_start3A_37 = tpu.memref_slice %arg6[%dma_start3A_35, %dma_start3A_36] : memref<1024x32xf32, #tpu.memory_space<vmem>> -> memref<128x32xf32, #tpu.memory_space<vmem>>
    %dma_start3A_38 = arith.constant 0 : i32
    %dma_start3A_39 = tpu.memref_slice %arg5[%dma_start3A_34, %dma_start3A_38] : memref<8x128xi32, #tpu.memory_space<vmem>> -> memref<1x128xi32, #tpu.memory_space<vmem>>
    %dma_start3A_40 = tpu.memref_squeeze %dma_start3A_39 : memref<1x128xi32, #tpu.memory_space<vmem>> -> memref<128xi32, #tpu.memory_space<vmem>>
    %dma_start3A_41 = arith.constant 0 : i32
    %dma_start3A_42 = arith.constant 0 : i32
    %dma_start3A_43 = tpu.memref_slice %arg2[%dma_start3A_41, %dma_start3A_42] : memref<8192x32xf32, #tpu.memory_space<hbm>> -> memref<8192x32xf32, #tpu.memory_space<hbm>>
    tpu.enqueue_indirect_dma source(%dma_start3A_43 : memref<8192x32xf32, #tpu.memory_space<hbm>>) target(%dma_start3A_37 : memref<128x32xf32, #tpu.memory_space<vmem>>) offsets(%dma_start3A_40 : memref<128xi32, #tpu.memory_space<vmem>>) semaphore(%arg7 : memref<!tpu.dma_semaphore, #tpu.memory_space<semaphore_mem>>)
    %dma_start3A_44 = arith.constant 4 : i32
    %dma_start3A_45 = arith.constant 512 : i32
    %dma_start3A_46 = arith.constant 0 : i32
    %dma_start3A_47 = tpu.memref_slice %arg6[%dma_start3A_45, %dma_start3A_46] : memref<1024x32xf32, #tpu.memory_space<vmem>> -> memref<128x32xf32, #tpu.memory_space<vmem>>
    %dma_start3A_48 = arith.constant 0 : i32
    %dma_start3A_49 = tpu.memref_slice %arg5[%dma_start3A_44, %dma_start3A_48] : memref<8x128xi32, #tpu.memory_space<vmem>> -> memref<1x128xi32, #tpu.memory_space<vmem>>
    %dma_start3A_50 = tpu.memref_squeeze %dma_start3A_49 : memref<1x128xi32, #tpu.memory_space<vmem>> -> memref<128xi32, #tpu.memory_space<vmem>>
    %dma_start3A_51 = arith.constant 0 : i32
    %dma_start3A_52 = arith.constant 0 : i32
    %dma_start3A_53 = tpu.memref_slice %arg2[%dma_start3A_51, %dma_start3A_52] : memref<8192x32xf32, #tpu.memory_space<hbm>> -> memref<8192x32xf32, #tpu.memory_space<hbm>>
    tpu.enqueue_indirect_dma source(%dma_start3A_53 : memref<8192x32xf32, #tpu.memory_space<hbm>>) target(%dma_start3A_47 : memref<128x32xf32, #tpu.memory_space<vmem>>) offsets(%dma_start3A_50 : memref<128xi32, #tpu.memory_space<vmem>>) semaphore(%arg7 : memref<!tpu.dma_semaphore, #tpu.memory_space<semaphore_mem>>)
    %dma_start3A_54 = arith.constant 5 : i32
    %dma_start3A_55 = arith.constant 640 : i32
    %dma_start3A_56 = arith.constant 0 : i32
    %dma_start3A_57 = tpu.memref_slice %arg6[%dma_start3A_55, %dma_start3A_56] : memref<1024x32xf32, #tpu.memory_space<vmem>> -> memref<128x32xf32, #tpu.memory_space<vmem>>
    %dma_start3A_58 = arith.constant 0 : i32
    %dma_start3A_59 = tpu.memref_slice %arg5[%dma_start3A_54, %dma_start3A_58] : memref<8x128xi32, #tpu.memory_space<vmem>> -> memref<1x128xi32, #tpu.memory_space<vmem>>
    %dma_start3A_60 = tpu.memref_squeeze %dma_start3A_59 : memref<1x128xi32, #tpu.memory_space<vmem>> -> memref<128xi32, #tpu.memory_space<vmem>>
    %dma_start3A_61 = arith.constant 0 : i32
    %dma_start3A_62 = arith.constant 0 : i32
    %dma_start3A_63 = tpu.memref_slice %arg2[%dma_start3A_61, %dma_start3A_62] : memref<8192x32xf32, #tpu.memory_space<hbm>> -> memref<8192x32xf32, #tpu.memory_space<hbm>>
    tpu.enqueue_indirect_dma source(%dma_start3A_63 : memref<8192x32xf32, #tpu.memory_space<hbm>>) target(%dma_start3A_57 : memref<128x32xf32, #tpu.memory_space<vmem>>) offsets(%dma_start3A_60 : memref<128xi32, #tpu.memory_space<vmem>>) semaphore(%arg7 : memref<!tpu.dma_semaphore, #tpu.memory_space<semaphore_mem>>)
    %dma_start3A_64 = arith.constant 6 : i32
    %dma_start3A_65 = arith.constant 768 : i32
    %dma_start3A_66 = arith.constant 0 : i32
    %dma_start3A_67 = tpu.memref_slice %arg6[%dma_start3A_65, %dma_start3A_66] : memref<1024x32xf32, #tpu.memory_space<vmem>> -> memref<128x32xf32, #tpu.memory_space<vmem>>
    %dma_start3A_68 = arith.constant 0 : i32
    %dma_start3A_69 = tpu.memref_slice %arg5[%dma_start3A_64, %dma_start3A_68] : memref<8x128xi32, #tpu.memory_space<vmem>> -> memref<1x128xi32, #tpu.memory_space<vmem>>
    %dma_start3A_70 = tpu.memref_squeeze %dma_start3A_69 : memref<1x128xi32, #tpu.memory_space<vmem>> -> memref<128xi32, #tpu.memory_space<vmem>>
    %dma_start3A_71 = arith.constant 0 : i32
    %dma_start3A_72 = arith.constant 0 : i32
    %dma_start3A_73 = tpu.memref_slice %arg2[%dma_start3A_71, %dma_start3A_72] : memref<8192x32xf32, #tpu.memory_space<hbm>> -> memref<8192x32xf32, #tpu.memory_space<hbm>>
    tpu.enqueue_indirect_dma source(%dma_start3A_73 : memref<8192x32xf32, #tpu.memory_space<hbm>>) target(%dma_start3A_67 : memref<128x32xf32, #tpu.memory_space<vmem>>) offsets(%dma_start3A_70 : memref<128xi32, #tpu.memory_space<vmem>>) semaphore(%arg7 : memref<!tpu.dma_semaphore, #tpu.memory_space<semaphore_mem>>)
    %dma_start3A_74 = arith.constant 7 : i32
    %dma_start3A_75 = arith.constant 896 : i32
    %dma_start3A_76 = arith.constant 0 : i32
    %dma_start3A_77 = tpu.memref_slice %arg6[%dma_start3A_75, %dma_start3A_76] : memref<1024x32xf32, #tpu.memory_space<vmem>> -> memref<128x32xf32, #tpu.memory_space<vmem>>
    %dma_start3A_78 = arith.constant 0 : i32
    %dma_start3A_79 = tpu.memref_slice %arg5[%dma_start3A_74, %dma_start3A_78] : memref<8x128xi32, #tpu.memory_space<vmem>> -> memref<1x128xi32, #tpu.memory_space<vmem>>
    %dma_start3A_80 = tpu.memref_squeeze %dma_start3A_79 : memref<1x128xi32, #tpu.memory_space<vmem>> -> memref<128xi32, #tpu.memory_space<vmem>>
    %dma_start3A_81 = arith.constant 0 : i32
    %dma_start3A_82 = arith.constant 0 : i32
    %dma_start3A_83 = tpu.memref_slice %arg2[%dma_start3A_81, %dma_start3A_82] : memref<8192x32xf32, #tpu.memory_space<hbm>> -> memref<8192x32xf32, #tpu.memory_space<hbm>>
    tpu.enqueue_indirect_dma source(%dma_start3A_83 : memref<8192x32xf32, #tpu.memory_space<hbm>>) target(%dma_start3A_77 : memref<128x32xf32, #tpu.memory_space<vmem>>) offsets(%dma_start3A_80 : memref<128xi32, #tpu.memory_space<vmem>>) semaphore(%arg7 : memref<!tpu.dma_semaphore, #tpu.memory_space<semaphore_mem>>)
    %dma_wait3A = arith.constant 0 : i32
    %dma_wait3A_84 = arith.constant 0 : i32
    %dma_wait3A_85 = arith.constant 0 : i32
    %dma_wait3A_86 = tpu.memref_slice %arg6[%dma_wait3A_84, %dma_wait3A_85] : memref<1024x32xf32, #tpu.memory_space<vmem>> -> memref<128x32xf32, #tpu.memory_space<vmem>>
    %dma_wait3A_87 = arith.constant 0 : i32
    %dma_wait3A_88 = tpu.memref_slice %arg5[%dma_wait3A, %dma_wait3A_87] : memref<8x128xi32, #tpu.memory_space<vmem>> -> memref<1x128xi32, #tpu.memory_space<vmem>>
    %dma_wait3A_89 = tpu.memref_squeeze %dma_wait3A_88 : memref<1x128xi32, #tpu.memory_space<vmem>> -> memref<128xi32, #tpu.memory_space<vmem>>
    %dma_wait3A_90 = arith.constant 0 : i32
    %dma_wait3A_91 = arith.constant 0 : i32
    %dma_wait3A_92 = tpu.memref_slice %arg2[%dma_wait3A_90, %dma_wait3A_91] : memref<8192x32xf32, #tpu.memory_space<hbm>> -> memref<8192x32xf32, #tpu.memory_space<hbm>>
    tpu.wait_indirect_dma semaphore(%arg7 : memref<!tpu.dma_semaphore, #tpu.memory_space<semaphore_mem>>) src(%dma_wait3A_92 : memref<8192x32xf32, #tpu.memory_space<hbm>>) dst(%dma_wait3A_86 : memref<128x32xf32, #tpu.memory_space<vmem>>)
    %dma_wait3A_93 = arith.constant 1 : i32
    %dma_wait3A_94 = arith.constant 128 : i32
    %dma_wait3A_95 = arith.constant 0 : i32
    %dma_wait3A_96 = tpu.memref_slice %arg6[%dma_wait3A_94, %dma_wait3A_95] : memref<1024x32xf32, #tpu.memory_space<vmem>> -> memref<128x32xf32, #tpu.memory_space<vmem>>
    %dma_wait3A_97 = arith.constant 0 : i32
    %dma_wait3A_98 = tpu.memref_slice %arg5[%dma_wait3A_93, %dma_wait3A_97] : memref<8x128xi32, #tpu.memory_space<vmem>> -> memref<1x128xi32, #tpu.memory_space<vmem>>
    %dma_wait3A_99 = tpu.memref_squeeze %dma_wait3A_98 : memref<1x128xi32, #tpu.memory_space<vmem>> -> memref<128xi32, #tpu.memory_space<vmem>>
    %dma_wait3A_100 = arith.constant 0 : i32
    %dma_wait3A_101 = arith.constant 0 : i32
    %dma_wait3A_102 = tpu.memref_slice %arg2[%dma_wait3A_100, %dma_wait3A_101] : memref<8192x32xf32, #tpu.memory_space<hbm>> -> memref<8192x32xf32, #tpu.memory_space<hbm>>
    tpu.wait_indirect_dma semaphore(%arg7 : memref<!tpu.dma_semaphore, #tpu.memory_space<semaphore_mem>>) src(%dma_wait3A_102 : memref<8192x32xf32, #tpu.memory_space<hbm>>) dst(%dma_wait3A_96 : memref<128x32xf32, #tpu.memory_space<vmem>>)
    %dma_wait3A_103 = arith.constant 2 : i32
    %dma_wait3A_104 = arith.constant 256 : i32
    %dma_wait3A_105 = arith.constant 0 : i32
    %dma_wait3A_106 = tpu.memref_slice %arg6[%dma_wait3A_104, %dma_wait3A_105] : memref<1024x32xf32, #tpu.memory_space<vmem>> -> memref<128x32xf32, #tpu.memory_space<vmem>>
    %dma_wait3A_107 = arith.constant 0 : i32
    %dma_wait3A_108 = tpu.memref_slice %arg5[%dma_wait3A_103, %dma_wait3A_107] : memref<8x128xi32, #tpu.memory_space<vmem>> -> memref<1x128xi32, #tpu.memory_space<vmem>>
    %dma_wait3A_109 = tpu.memref_squeeze %dma_wait3A_108 : memref<1x128xi32, #tpu.memory_space<vmem>> -> memref<128xi32, #tpu.memory_space<vmem>>
    %dma_wait3A_110 = arith.constant 0 : i32
    %dma_wait3A_111 = arith.constant 0 : i32
    %dma_wait3A_112 = tpu.memref_slice %arg2[%dma_wait3A_110, %dma_wait3A_111] : memref<8192x32xf32, #tpu.memory_space<hbm>> -> memref<8192x32xf32, #tpu.memory_space<hbm>>
    tpu.wait_indirect_dma semaphore(%arg7 : memref<!tpu.dma_semaphore, #tpu.memory_space<semaphore_mem>>) src(%dma_wait3A_112 : memref<8192x32xf32, #tpu.memory_space<hbm>>) dst(%dma_wait3A_106 : memref<128x32xf32, #tpu.memory_space<vmem>>)
    %dma_wait3A_113 = arith.constant 3 : i32
    %dma_wait3A_114 = arith.constant 384 : i32
    %dma_wait3A_115 = arith.constant 0 : i32
    %dma_wait3A_116 = tpu.memref_slice %arg6[%dma_wait3A_114, %dma_wait3A_115] : memref<1024x32xf32, #tpu.memory_space<vmem>> -> memref<128x32xf32, #tpu.memory_space<vmem>>
    %dma_wait3A_117 = arith.constant 0 : i32
    %dma_wait3A_118 = tpu.memref_slice %arg5[%dma_wait3A_113, %dma_wait3A_117] : memref<8x128xi32, #tpu.memory_space<vmem>> -> memref<1x128xi32, #tpu.memory_space<vmem>>
    %dma_wait3A_119 = tpu.memref_squeeze %dma_wait3A_118 : memref<1x128xi32, #tpu.memory_space<vmem>> -> memref<128xi32, #tpu.memory_space<vmem>>
    %dma_wait3A_120 = arith.constant 0 : i32
    %dma_wait3A_121 = arith.constant 0 : i32
    %dma_wait3A_122 = tpu.memref_slice %arg2[%dma_wait3A_120, %dma_wait3A_121] : memref<8192x32xf32, #tpu.memory_space<hbm>> -> memref<8192x32xf32, #tpu.memory_space<hbm>>
    tpu.wait_indirect_dma semaphore(%arg7 : memref<!tpu.dma_semaphore, #tpu.memory_space<semaphore_mem>>) src(%dma_wait3A_122 : memref<8192x32xf32, #tpu.memory_space<hbm>>) dst(%dma_wait3A_116 : memref<128x32xf32, #tpu.memory_space<vmem>>)
    %dma_wait3A_123 = arith.constant 4 : i32
    %dma_wait3A_124 = arith.constant 512 : i32
    %dma_wait3A_125 = arith.constant 0 : i32
    %dma_wait3A_126 = tpu.memref_slice %arg6[%dma_wait3A_124, %dma_wait3A_125] : memref<1024x32xf32, #tpu.memory_space<vmem>> -> memref<128x32xf32, #tpu.memory_space<vmem>>
    %dma_wait3A_127 = arith.constant 0 : i32
    %dma_wait3A_128 = tpu.memref_slice %arg5[%dma_wait3A_123, %dma_wait3A_127] : memref<8x128xi32, #tpu.memory_space<vmem>> -> memref<1x128xi32, #tpu.memory_space<vmem>>
    %dma_wait3A_129 = tpu.memref_squeeze %dma_wait3A_128 : memref<1x128xi32, #tpu.memory_space<vmem>> -> memref<128xi32, #tpu.memory_space<vmem>>
    %dma_wait3A_130 = arith.constant 0 : i32
    %dma_wait3A_131 = arith.constant 0 : i32
    %dma_wait3A_132 = tpu.memref_slice %arg2[%dma_wait3A_130, %dma_wait3A_131] : memref<8192x32xf32, #tpu.memory_space<hbm>> -> memref<8192x32xf32, #tpu.memory_space<hbm>>
    tpu.wait_indirect_dma semaphore(%arg7 : memref<!tpu.dma_semaphore, #tpu.memory_space<semaphore_mem>>) src(%dma_wait3A_132 : memref<8192x32xf32, #tpu.memory_space<hbm>>) dst(%dma_wait3A_126 : memref<128x32xf32, #tpu.memory_space<vmem>>)
    %dma_wait3A_133 = arith.constant 5 : i32
    %dma_wait3A_134 = arith.constant 640 : i32
    %dma_wait3A_135 = arith.constant 0 : i32
    %dma_wait3A_136 = tpu.memref_slice %arg6[%dma_wait3A_134, %dma_wait3A_135] : memref<1024x32xf32, #tpu.memory_space<vmem>> -> memref<128x32xf32, #tpu.memory_space<vmem>>
    %dma_wait3A_137 = arith.constant 0 : i32
    %dma_wait3A_138 = tpu.memref_slice %arg5[%dma_wait3A_133, %dma_wait3A_137] : memref<8x128xi32, #tpu.memory_space<vmem>> -> memref<1x128xi32, #tpu.memory_space<vmem>>
    %dma_wait3A_139 = tpu.memref_squeeze %dma_wait3A_138 : memref<1x128xi32, #tpu.memory_space<vmem>> -> memref<128xi32, #tpu.memory_space<vmem>>
    %dma_wait3A_140 = arith.constant 0 : i32
    %dma_wait3A_141 = arith.constant 0 : i32
    %dma_wait3A_142 = tpu.memref_slice %arg2[%dma_wait3A_140, %dma_wait3A_141] : memref<8192x32xf32, #tpu.memory_space<hbm>> -> memref<8192x32xf32, #tpu.memory_space<hbm>>
    tpu.wait_indirect_dma semaphore(%arg7 : memref<!tpu.dma_semaphore, #tpu.memory_space<semaphore_mem>>) src(%dma_wait3A_142 : memref<8192x32xf32, #tpu.memory_space<hbm>>) dst(%dma_wait3A_136 : memref<128x32xf32, #tpu.memory_space<vmem>>)
    %dma_wait3A_143 = arith.constant 6 : i32
    %dma_wait3A_144 = arith.constant 768 : i32
    %dma_wait3A_145 = arith.constant 0 : i32
    %dma_wait3A_146 = tpu.memref_slice %arg6[%dma_wait3A_144, %dma_wait3A_145] : memref<1024x32xf32, #tpu.memory_space<vmem>> -> memref<128x32xf32, #tpu.memory_space<vmem>>
    %dma_wait3A_147 = arith.constant 0 : i32
    %dma_wait3A_148 = tpu.memref_slice %arg5[%dma_wait3A_143, %dma_wait3A_147] : memref<8x128xi32, #tpu.memory_space<vmem>> -> memref<1x128xi32, #tpu.memory_space<vmem>>
    %dma_wait3A_149 = tpu.memref_squeeze %dma_wait3A_148 : memref<1x128xi32, #tpu.memory_space<vmem>> -> memref<128xi32, #tpu.memory_space<vmem>>
    %dma_wait3A_150 = arith.constant 0 : i32
    %dma_wait3A_151 = arith.constant 0 : i32
    %dma_wait3A_152 = tpu.memref_slice %arg2[%dma_wait3A_150, %dma_wait3A_151] : memref<8192x32xf32, #tpu.memory_space<hbm>> -> memref<8192x32xf32, #tpu.memory_space<hbm>>
    tpu.wait_indirect_dma semaphore(%arg7 : memref<!tpu.dma_semaphore, #tpu.memory_space<semaphore_mem>>) src(%dma_wait3A_152 : memref<8192x32xf32, #tpu.memory_space<hbm>>) dst(%dma_wait3A_146 : memref<128x32xf32, #tpu.memory_space<vmem>>)
    %dma_wait3A_153 = arith.constant 7 : i32
    %dma_wait3A_154 = arith.constant 896 : i32
    %dma_wait3A_155 = arith.constant 0 : i32
    %dma_wait3A_156 = tpu.memref_slice %arg6[%dma_wait3A_154, %dma_wait3A_155] : memref<1024x32xf32, #tpu.memory_space<vmem>> -> memref<128x32xf32, #tpu.memory_space<vmem>>
    %dma_wait3A_157 = arith.constant 0 : i32
    %dma_wait3A_158 = tpu.memref_slice %arg5[%dma_wait3A_153, %dma_wait3A_157] : memref<8x128xi32, #tpu.memory_space<vmem>> -> memref<1x128xi32, #tpu.memory_space<vmem>>
    %dma_wait3A_159 = tpu.memref_squeeze %dma_wait3A_158 : memref<1x128xi32, #tpu.memory_space<vmem>> -> memref<128xi32, #tpu.memory_space<vmem>>
    %dma_wait3A_160 = arith.constant 0 : i32
    %dma_wait3A_161 = arith.constant 0 : i32
    %dma_wait3A_162 = tpu.memref_slice %arg2[%dma_wait3A_160, %dma_wait3A_161] : memref<8192x32xf32, #tpu.memory_space<hbm>> -> memref<8192x32xf32, #tpu.memory_space<hbm>>
    tpu.wait_indirect_dma semaphore(%arg7 : memref<!tpu.dma_semaphore, #tpu.memory_space<semaphore_mem>>) src(%dma_wait3A_162 : memref<8192x32xf32, #tpu.memory_space<hbm>>) dst(%dma_wait3A_156 : memref<128x32xf32, #tpu.memory_space<vmem>>)
    "tpu.region"() ({
      %run_scoped3A = tpu.sem_alloc : memref<!tpu.dma_semaphore, #tpu.memory_space<semaphore_mem>>
      %dma_start3A_163 = arith.constant 0 : i32
      %dma_start3A_164 = tpu.memref_slice %arg4[%mul3A_2, %dma_start3A_163] : memref<32768x32xf32, #tpu.memory_space<hbm>> -> memref<1024x32xf32, #tpu.memory_space<hbm>>
      %dma_start3A_165 = arith.constant 0 : i32
      %dma_start3A_166 = tpu.memref_slice %arg4[%mul3A_2, %dma_start3A_165] : memref<32768x32xf32, #tpu.memory_space<hbm>> -> memref<1024x32xf32, #tpu.memory_space<hbm>>
      tpu.enqueue_dma source(%arg6 : memref<1024x32xf32, #tpu.memory_space<vmem>>) target(%dma_start3A_166 : memref<1024x32xf32, #tpu.memory_space<hbm>>) target_semaphore(%run_scoped3A : memref<!tpu.dma_semaphore, #tpu.memory_space<semaphore_mem>>)
      %dma_wait3A_167 = arith.constant 0 : i32
      %dma_wait3A_168 = tpu.memref_slice %arg4[%mul3A_2, %dma_wait3A_167] : memref<32768x32xf32, #tpu.memory_space<hbm>> -> memref<1024x32xf32, #tpu.memory_space<hbm>>
      %dma_wait3A_169 = arith.constant 0 : i32
      %dma_wait3A_170 = tpu.memref_slice %arg4[%mul3A_2, %dma_wait3A_169] : memref<32768x32xf32, #tpu.memory_space<hbm>> -> memref<1024x32xf32, #tpu.memory_space<hbm>>
      tpu.wait_dma2 semaphore(%run_scoped3A : memref<!tpu.dma_semaphore, #tpu.memory_space<semaphore_mem>>) src(%arg6 : memref<1024x32xf32, #tpu.memory_space<vmem>>) dst(%dma_wait3A_170 : memref<1024x32xf32, #tpu.memory_space<hbm>>)
      tpu.yield
    }) : () -> ()
    return
  }
}

module attributes {stable_mosaic.version = 14 : i64} {
  func.func @_dist_argmin_body(%arg0: i32, %arg1: memref<1024x32xf32, #tpu.memory_space<vmem>>, %arg2: memref<32x8192xf32, #tpu.memory_space<vmem>>, %arg3: memref<1x8192xf32, #tpu.memory_space<vmem>>, %arg4: memref<1024xi32, #tpu.memory_space<vmem>>, %arg5: memref<8x128xf32, #tpu.memory_space<vmem>>) attributes {dimension_semantics = [#tpu.dimension_semantics<parallel>], iteration_bounds = array<i64: 32>, scalar_prefetch = 0 : i64, scratch_operands = 0 : i64, tpu.core_type = #tpu.core_type<tc>, window_params = [{transform_indices = @transform_0, window_bounds = array<i64: 1024, 32>}, {pipeline_mode = #tpu.pipeline_mode<synchronous>, transform_indices = @transform_1, window_bounds = array<i64: 32, 8192>}, {pipeline_mode = #tpu.pipeline_mode<synchronous>, transform_indices = @transform_2, window_bounds = array<i64: 1, 8192>}, {transform_indices = @transform_3, window_bounds = array<i64: 1024>}, {transform_indices = @transform_4, window_bounds = array<i64: 8, 128>}]} {
    %get3A = arith.constant 0 : index
    %get3A_0 = arith.constant 0 : index
    %get3A_1 = vector.load %arg1[%get3A, %get3A_0] : memref<1024x32xf32, #tpu.memory_space<vmem>>, vector<1024x32xf32>
    %get3A_2 = arith.constant 0 : index
    %get3A_3 = arith.constant 0 : index
    %get3A_4 = vector.load %arg3[%get3A_2, %get3A_3] : memref<1x8192xf32, #tpu.memory_space<vmem>>, vector<1x8192xf32>
    %mul3A = arith.mulf %get3A_1, %get3A_1 : vector<1024x32xf32>
    %reduce_sum3A = arith.constant dense<0.000000e+00> : vector<1024xf32>
    %reduce_sum3A_5 = vector.multi_reduction <add>, %mul3A, %reduce_sum3A [1] : vector<1024x32xf32> to vector<1024xf32>
    %broadcast_in_dim3A = vector.shape_cast %reduce_sum3A_5 : vector<1024xf32> to vector<1024x1xf32>
    %get3A_6 = arith.constant 0 : index
    %get3A_7 = arith.constant 0 : index
    %get3A_8 = vector.load %arg2[%get3A_6, %get3A_7] : memref<32x8192xf32, #tpu.memory_space<vmem>>, vector<32x8192xf32>
    %dot_general3A = arith.constant dense<0.000000e+00> : vector<1024x8192xf32>
    %dot_general3A_9 = tpu.matmul %get3A_1, %get3A_8, %dot_general3A {dimension_numbers = #tpu.dot_dimension_numbers<[1], [0], [0], [1], [0, 0, 1, 1], [], []>, transpose_lhs_hint = false} : vector<1024x32xf32>, vector<32x8192xf32>, vector<1024x8192xf32> -> vector<1024x8192xf32>
    %slice3A = vector.extract_strided_slice %dot_general3A_9 {offsets = [0, 0], sizes = [1024, 128], strides = [1, 1]} : vector<1024x8192xf32> to vector<1024x128xf32>
    %sub3A = vector.broadcast %broadcast_in_dim3A : vector<1024x1xf32> to vector<1024x128xf32>
    %sub3A_10 = arith.subf %sub3A, %slice3A : vector<1024x128xf32>
    %slice3A_11 = vector.extract_strided_slice %get3A_4 {offsets = [0, 0], sizes = [1, 128], strides = [1, 1]} : vector<1x8192xf32> to vector<1x128xf32>
    %add3A = vector.broadcast %slice3A_11 : vector<1x128xf32> to vector<1024x128xf32>
    %add3A_12 = arith.addf %sub3A_10, %add3A : vector<1024x128xf32>
    %broadcast_in_dim3A_13 = arith.constant 0 : i32
    %broadcast_in_dim3A_14 = vector.broadcast %broadcast_in_dim3A_13 : i32 to vector<1024x128xi32>
    %slice3A_15 = vector.extract_strided_slice %dot_general3A_9 {offsets = [0, 128], sizes = [1024, 128], strides = [1, 1]} : vector<1024x8192xf32> to vector<1024x128xf32>
    %sub3A_16 = vector.broadcast %broadcast_in_dim3A : vector<1024x1xf32> to vector<1024x128xf32>
    %sub3A_17 = arith.subf %sub3A_16, %slice3A_15 : vector<1024x128xf32>
    %slice3A_18 = vector.extract_strided_slice %get3A_4 {offsets = [0, 128], sizes = [1, 128], strides = [1, 1]} : vector<1x8192xf32> to vector<1x128xf32>
    %add3A_19 = vector.broadcast %slice3A_18 : vector<1x128xf32> to vector<1024x128xf32>
    %add3A_20 = arith.addf %sub3A_17, %add3A_19 : vector<1024x128xf32>
    %le3A = arith.cmpf ole, %add3A_12, %add3A_20 : vector<1024x128xf32>
    %jit3A = arith.constant 128 : i32
    %broadcast_in_dim3A_21 = vector.broadcast %jit3A : i32 to vector<1024x128xi32>
    %select_n3A = arith.select %le3A, %broadcast_in_dim3A_14, %broadcast_in_dim3A_21 : vector<1024x128xi1>, vector<1024x128xi32>
    %min3A = arith.minimumf %add3A_12, %add3A_20 : vector<1024x128xf32>
    %slice3A_22 = vector.extract_strided_slice %dot_general3A_9 {offsets = [0, 256], sizes = [1024, 128], strides = [1, 1]} : vector<1024x8192xf32> to vector<1024x128xf32>
    %sub3A_23 = vector.broadcast %broadcast_in_dim3A : vector<1024x1xf32> to vector<1024x128xf32>
    %sub3A_24 = arith.subf %sub3A_23, %slice3A_22 : vector<1024x128xf32>
    %slice3A_25 = vector.extract_strided_slice %get3A_4 {offsets = [0, 256], sizes = [1, 128], strides = [1, 1]} : vector<1x8192xf32> to vector<1x128xf32>
    %add3A_26 = vector.broadcast %slice3A_25 : vector<1x128xf32> to vector<1024x128xf32>
    %add3A_27 = arith.addf %sub3A_24, %add3A_26 : vector<1024x128xf32>
    %le3A_28 = arith.cmpf ole, %min3A, %add3A_27 : vector<1024x128xf32>
    %jit3A_29 = arith.constant 256 : i32
    %broadcast_in_dim3A_30 = vector.broadcast %jit3A_29 : i32 to vector<1024x128xi32>
    %select_n3A_31 = arith.select %le3A_28, %select_n3A, %broadcast_in_dim3A_30 : vector<1024x128xi1>, vector<1024x128xi32>
    %min3A_32 = arith.minimumf %min3A, %add3A_27 : vector<1024x128xf32>
    %slice3A_33 = vector.extract_strided_slice %dot_general3A_9 {offsets = [0, 384], sizes = [1024, 128], strides = [1, 1]} : vector<1024x8192xf32> to vector<1024x128xf32>
    %sub3A_34 = vector.broadcast %broadcast_in_dim3A : vector<1024x1xf32> to vector<1024x128xf32>
    %sub3A_35 = arith.subf %sub3A_34, %slice3A_33 : vector<1024x128xf32>
    %slice3A_36 = vector.extract_strided_slice %get3A_4 {offsets = [0, 384], sizes = [1, 128], strides = [1, 1]} : vector<1x8192xf32> to vector<1x128xf32>
    %add3A_37 = vector.broadcast %slice3A_36 : vector<1x128xf32> to vector<1024x128xf32>
    %add3A_38 = arith.addf %sub3A_35, %add3A_37 : vector<1024x128xf32>
    %le3A_39 = arith.cmpf ole, %min3A_32, %add3A_38 : vector<1024x128xf32>
    %jit3A_40 = arith.constant 384 : i32
    %broadcast_in_dim3A_41 = vector.broadcast %jit3A_40 : i32 to vector<1024x128xi32>
    %select_n3A_42 = arith.select %le3A_39, %select_n3A_31, %broadcast_in_dim3A_41 : vector<1024x128xi1>, vector<1024x128xi32>
    %min3A_43 = arith.minimumf %min3A_32, %add3A_38 : vector<1024x128xf32>
    %slice3A_44 = vector.extract_strided_slice %dot_general3A_9 {offsets = [0, 512], sizes = [1024, 128], strides = [1, 1]} : vector<1024x8192xf32> to vector<1024x128xf32>
    %sub3A_45 = vector.broadcast %broadcast_in_dim3A : vector<1024x1xf32> to vector<1024x128xf32>
    %sub3A_46 = arith.subf %sub3A_45, %slice3A_44 : vector<1024x128xf32>
    %slice3A_47 = vector.extract_strided_slice %get3A_4 {offsets = [0, 512], sizes = [1, 128], strides = [1, 1]} : vector<1x8192xf32> to vector<1x128xf32>
    %add3A_48 = vector.broadcast %slice3A_47 : vector<1x128xf32> to vector<1024x128xf32>
    %add3A_49 = arith.addf %sub3A_46, %add3A_48 : vector<1024x128xf32>
    %le3A_50 = arith.cmpf ole, %min3A_43, %add3A_49 : vector<1024x128xf32>
    %jit3A_51 = arith.constant 512 : i32
    %broadcast_in_dim3A_52 = vector.broadcast %jit3A_51 : i32 to vector<1024x128xi32>
    %select_n3A_53 = arith.select %le3A_50, %select_n3A_42, %broadcast_in_dim3A_52 : vector<1024x128xi1>, vector<1024x128xi32>
    %min3A_54 = arith.minimumf %min3A_43, %add3A_49 : vector<1024x128xf32>
    %slice3A_55 = vector.extract_strided_slice %dot_general3A_9 {offsets = [0, 640], sizes = [1024, 128], strides = [1, 1]} : vector<1024x8192xf32> to vector<1024x128xf32>
    %sub3A_56 = vector.broadcast %broadcast_in_dim3A : vector<1024x1xf32> to vector<1024x128xf32>
    %sub3A_57 = arith.subf %sub3A_56, %slice3A_55 : vector<1024x128xf32>
    %slice3A_58 = vector.extract_strided_slice %get3A_4 {offsets = [0, 640], sizes = [1, 128], strides = [1, 1]} : vector<1x8192xf32> to vector<1x128xf32>
    %add3A_59 = vector.broadcast %slice3A_58 : vector<1x128xf32> to vector<1024x128xf32>
    %add3A_60 = arith.addf %sub3A_57, %add3A_59 : vector<1024x128xf32>
    %le3A_61 = arith.cmpf ole, %min3A_54, %add3A_60 : vector<1024x128xf32>
    %jit3A_62 = arith.constant 640 : i32
    %broadcast_in_dim3A_63 = vector.broadcast %jit3A_62 : i32 to vector<1024x128xi32>
    %select_n3A_64 = arith.select %le3A_61, %select_n3A_53, %broadcast_in_dim3A_63 : vector<1024x128xi1>, vector<1024x128xi32>
    %min3A_65 = arith.minimumf %min3A_54, %add3A_60 : vector<1024x128xf32>
    %slice3A_66 = vector.extract_strided_slice %dot_general3A_9 {offsets = [0, 768], sizes = [1024, 128], strides = [1, 1]} : vector<1024x8192xf32> to vector<1024x128xf32>
    %sub3A_67 = vector.broadcast %broadcast_in_dim3A : vector<1024x1xf32> to vector<1024x128xf32>
    %sub3A_68 = arith.subf %sub3A_67, %slice3A_66 : vector<1024x128xf32>
    %slice3A_69 = vector.extract_strided_slice %get3A_4 {offsets = [0, 768], sizes = [1, 128], strides = [1, 1]} : vector<1x8192xf32> to vector<1x128xf32>
    %add3A_70 = vector.broadcast %slice3A_69 : vector<1x128xf32> to vector<1024x128xf32>
    %add3A_71 = arith.addf %sub3A_68, %add3A_70 : vector<1024x128xf32>
    %le3A_72 = arith.cmpf ole, %min3A_65, %add3A_71 : vector<1024x128xf32>
    %jit3A_73 = arith.constant 768 : i32
    %broadcast_in_dim3A_74 = vector.broadcast %jit3A_73 : i32 to vector<1024x128xi32>
    %select_n3A_75 = arith.select %le3A_72, %select_n3A_64, %broadcast_in_dim3A_74 : vector<1024x128xi1>, vector<1024x128xi32>
    %min3A_76 = arith.minimumf %min3A_65, %add3A_71 : vector<1024x128xf32>
    %slice3A_77 = vector.extract_strided_slice %dot_general3A_9 {offsets = [0, 896], sizes = [1024, 128], strides = [1, 1]} : vector<1024x8192xf32> to vector<1024x128xf32>
    %sub3A_78 = vector.broadcast %broadcast_in_dim3A : vector<1024x1xf32> to vector<1024x128xf32>
    %sub3A_79 = arith.subf %sub3A_78, %slice3A_77 : vector<1024x128xf32>
    %slice3A_80 = vector.extract_strided_slice %get3A_4 {offsets = [0, 896], sizes = [1, 128], strides = [1, 1]} : vector<1x8192xf32> to vector<1x128xf32>
    %add3A_81 = vector.broadcast %slice3A_80 : vector<1x128xf32> to vector<1024x128xf32>
    %add3A_82 = arith.addf %sub3A_79, %add3A_81 : vector<1024x128xf32>
    %le3A_83 = arith.cmpf ole, %min3A_76, %add3A_82 : vector<1024x128xf32>
    %jit3A_84 = arith.constant 896 : i32
    %broadcast_in_dim3A_85 = vector.broadcast %jit3A_84 : i32 to vector<1024x128xi32>
    %select_n3A_86 = arith.select %le3A_83, %select_n3A_75, %broadcast_in_dim3A_85 : vector<1024x128xi1>, vector<1024x128xi32>
    %min3A_87 = arith.minimumf %min3A_76, %add3A_82 : vector<1024x128xf32>
    %slice3A_88 = vector.extract_strided_slice %dot_general3A_9 {offsets = [0, 1024], sizes = [1024, 128], strides = [1, 1]} : vector<1024x8192xf32> to vector<1024x128xf32>
    %sub3A_89 = vector.broadcast %broadcast_in_dim3A : vector<1024x1xf32> to vector<1024x128xf32>
    %sub3A_90 = arith.subf %sub3A_89, %slice3A_88 : vector<1024x128xf32>
    %slice3A_91 = vector.extract_strided_slice %get3A_4 {offsets = [0, 1024], sizes = [1, 128], strides = [1, 1]} : vector<1x8192xf32> to vector<1x128xf32>
    %add3A_92 = vector.broadcast %slice3A_91 : vector<1x128xf32> to vector<1024x128xf32>
    %add3A_93 = arith.addf %sub3A_90, %add3A_92 : vector<1024x128xf32>
    %le3A_94 = arith.cmpf ole, %min3A_87, %add3A_93 : vector<1024x128xf32>
    %jit3A_95 = arith.constant 1024 : i32
    %broadcast_in_dim3A_96 = vector.broadcast %jit3A_95 : i32 to vector<1024x128xi32>
    %select_n3A_97 = arith.select %le3A_94, %select_n3A_86, %broadcast_in_dim3A_96 : vector<1024x128xi1>, vector<1024x128xi32>
    %min3A_98 = arith.minimumf %min3A_87, %add3A_93 : vector<1024x128xf32>
    %slice3A_99 = vector.extract_strided_slice %dot_general3A_9 {offsets = [0, 1152], sizes = [1024, 128], strides = [1, 1]} : vector<1024x8192xf32> to vector<1024x128xf32>
    %sub3A_100 = vector.broadcast %broadcast_in_dim3A : vector<1024x1xf32> to vector<1024x128xf32>
    %sub3A_101 = arith.subf %sub3A_100, %slice3A_99 : vector<1024x128xf32>
    %slice3A_102 = vector.extract_strided_slice %get3A_4 {offsets = [0, 1152], sizes = [1, 128], strides = [1, 1]} : vector<1x8192xf32> to vector<1x128xf32>
    %add3A_103 = vector.broadcast %slice3A_102 : vector<1x128xf32> to vector<1024x128xf32>
    %add3A_104 = arith.addf %sub3A_101, %add3A_103 : vector<1024x128xf32>
    %le3A_105 = arith.cmpf ole, %min3A_98, %add3A_104 : vector<1024x128xf32>
    %jit3A_106 = arith.constant 1152 : i32
    %broadcast_in_dim3A_107 = vector.broadcast %jit3A_106 : i32 to vector<1024x128xi32>
    %select_n3A_108 = arith.select %le3A_105, %select_n3A_97, %broadcast_in_dim3A_107 : vector<1024x128xi1>, vector<1024x128xi32>
    %min3A_109 = arith.minimumf %min3A_98, %add3A_104 : vector<1024x128xf32>
    %slice3A_110 = vector.extract_strided_slice %dot_general3A_9 {offsets = [0, 1280], sizes = [1024, 128], strides = [1, 1]} : vector<1024x8192xf32> to vector<1024x128xf32>
    %sub3A_111 = vector.broadcast %broadcast_in_dim3A : vector<1024x1xf32> to vector<1024x128xf32>
    %sub3A_112 = arith.subf %sub3A_111, %slice3A_110 : vector<1024x128xf32>
    %slice3A_113 = vector.extract_strided_slice %get3A_4 {offsets = [0, 1280], sizes = [1, 128], strides = [1, 1]} : vector<1x8192xf32> to vector<1x128xf32>
    %add3A_114 = vector.broadcast %slice3A_113 : vector<1x128xf32> to vector<1024x128xf32>
    %add3A_115 = arith.addf %sub3A_112, %add3A_114 : vector<1024x128xf32>
    %le3A_116 = arith.cmpf ole, %min3A_109, %add3A_115 : vector<1024x128xf32>
    %jit3A_117 = arith.constant 1280 : i32
    %broadcast_in_dim3A_118 = vector.broadcast %jit3A_117 : i32 to vector<1024x128xi32>
    %select_n3A_119 = arith.select %le3A_116, %select_n3A_108, %broadcast_in_dim3A_118 : vector<1024x128xi1>, vector<1024x128xi32>
    %min3A_120 = arith.minimumf %min3A_109, %add3A_115 : vector<1024x128xf32>
    %slice3A_121 = vector.extract_strided_slice %dot_general3A_9 {offsets = [0, 1408], sizes = [1024, 128], strides = [1, 1]} : vector<1024x8192xf32> to vector<1024x128xf32>
    %sub3A_122 = vector.broadcast %broadcast_in_dim3A : vector<1024x1xf32> to vector<1024x128xf32>
    %sub3A_123 = arith.subf %sub3A_122, %slice3A_121 : vector<1024x128xf32>
    %slice3A_124 = vector.extract_strided_slice %get3A_4 {offsets = [0, 1408], sizes = [1, 128], strides = [1, 1]} : vector<1x8192xf32> to vector<1x128xf32>
    %add3A_125 = vector.broadcast %slice3A_124 : vector<1x128xf32> to vector<1024x128xf32>
    %add3A_126 = arith.addf %sub3A_123, %add3A_125 : vector<1024x128xf32>
    %le3A_127 = arith.cmpf ole, %min3A_120, %add3A_126 : vector<1024x128xf32>
    %jit3A_128 = arith.constant 1408 : i32
    %broadcast_in_dim3A_129 = vector.broadcast %jit3A_128 : i32 to vector<1024x128xi32>
    %select_n3A_130 = arith.select %le3A_127, %select_n3A_119, %broadcast_in_dim3A_129 : vector<1024x128xi1>, vector<1024x128xi32>
    %min3A_131 = arith.minimumf %min3A_120, %add3A_126 : vector<1024x128xf32>
    %slice3A_132 = vector.extract_strided_slice %dot_general3A_9 {offsets = [0, 1536], sizes = [1024, 128], strides = [1, 1]} : vector<1024x8192xf32> to vector<1024x128xf32>
    %sub3A_133 = vector.broadcast %broadcast_in_dim3A : vector<1024x1xf32> to vector<1024x128xf32>
    %sub3A_134 = arith.subf %sub3A_133, %slice3A_132 : vector<1024x128xf32>
    %slice3A_135 = vector.extract_strided_slice %get3A_4 {offsets = [0, 1536], sizes = [1, 128], strides = [1, 1]} : vector<1x8192xf32> to vector<1x128xf32>
    %add3A_136 = vector.broadcast %slice3A_135 : vector<1x128xf32> to vector<1024x128xf32>
    %add3A_137 = arith.addf %sub3A_134, %add3A_136 : vector<1024x128xf32>
    %le3A_138 = arith.cmpf ole, %min3A_131, %add3A_137 : vector<1024x128xf32>
    %jit3A_139 = arith.constant 1536 : i32
    %broadcast_in_dim3A_140 = vector.broadcast %jit3A_139 : i32 to vector<1024x128xi32>
    %select_n3A_141 = arith.select %le3A_138, %select_n3A_130, %broadcast_in_dim3A_140 : vector<1024x128xi1>, vector<1024x128xi32>
    %min3A_142 = arith.minimumf %min3A_131, %add3A_137 : vector<1024x128xf32>
    %slice3A_143 = vector.extract_strided_slice %dot_general3A_9 {offsets = [0, 1664], sizes = [1024, 128], strides = [1, 1]} : vector<1024x8192xf32> to vector<1024x128xf32>
    %sub3A_144 = vector.broadcast %broadcast_in_dim3A : vector<1024x1xf32> to vector<1024x128xf32>
    %sub3A_145 = arith.subf %sub3A_144, %slice3A_143 : vector<1024x128xf32>
    %slice3A_146 = vector.extract_strided_slice %get3A_4 {offsets = [0, 1664], sizes = [1, 128], strides = [1, 1]} : vector<1x8192xf32> to vector<1x128xf32>
    %add3A_147 = vector.broadcast %slice3A_146 : vector<1x128xf32> to vector<1024x128xf32>
    %add3A_148 = arith.addf %sub3A_145, %add3A_147 : vector<1024x128xf32>
    %le3A_149 = arith.cmpf ole, %min3A_142, %add3A_148 : vector<1024x128xf32>
    %jit3A_150 = arith.constant 1664 : i32
    %broadcast_in_dim3A_151 = vector.broadcast %jit3A_150 : i32 to vector<1024x128xi32>
    %select_n3A_152 = arith.select %le3A_149, %select_n3A_141, %broadcast_in_dim3A_151 : vector<1024x128xi1>, vector<1024x128xi32>
    %min3A_153 = arith.minimumf %min3A_142, %add3A_148 : vector<1024x128xf32>
    %slice3A_154 = vector.extract_strided_slice %dot_general3A_9 {offsets = [0, 1792], sizes = [1024, 128], strides = [1, 1]} : vector<1024x8192xf32> to vector<1024x128xf32>
    %sub3A_155 = vector.broadcast %broadcast_in_dim3A : vector<1024x1xf32> to vector<1024x128xf32>
    %sub3A_156 = arith.subf %sub3A_155, %slice3A_154 : vector<1024x128xf32>
    %slice3A_157 = vector.extract_strided_slice %get3A_4 {offsets = [0, 1792], sizes = [1, 128], strides = [1, 1]} : vector<1x8192xf32> to vector<1x128xf32>
    %add3A_158 = vector.broadcast %slice3A_157 : vector<1x128xf32> to vector<1024x128xf32>
    %add3A_159 = arith.addf %sub3A_156, %add3A_158 : vector<1024x128xf32>
    %le3A_160 = arith.cmpf ole, %min3A_153, %add3A_159 : vector<1024x128xf32>
    %jit3A_161 = arith.constant 1792 : i32
    %broadcast_in_dim3A_162 = vector.broadcast %jit3A_161 : i32 to vector<1024x128xi32>
    %select_n3A_163 = arith.select %le3A_160, %select_n3A_152, %broadcast_in_dim3A_162 : vector<1024x128xi1>, vector<1024x128xi32>
    %min3A_164 = arith.minimumf %min3A_153, %add3A_159 : vector<1024x128xf32>
    %slice3A_165 = vector.extract_strided_slice %dot_general3A_9 {offsets = [0, 1920], sizes = [1024, 128], strides = [1, 1]} : vector<1024x8192xf32> to vector<1024x128xf32>
    %sub3A_166 = vector.broadcast %broadcast_in_dim3A : vector<1024x1xf32> to vector<1024x128xf32>
    %sub3A_167 = arith.subf %sub3A_166, %slice3A_165 : vector<1024x128xf32>
    %slice3A_168 = vector.extract_strided_slice %get3A_4 {offsets = [0, 1920], sizes = [1, 128], strides = [1, 1]} : vector<1x8192xf32> to vector<1x128xf32>
    %add3A_169 = vector.broadcast %slice3A_168 : vector<1x128xf32> to vector<1024x128xf32>
    %add3A_170 = arith.addf %sub3A_167, %add3A_169 : vector<1024x128xf32>
    %le3A_171 = arith.cmpf ole, %min3A_164, %add3A_170 : vector<1024x128xf32>
    %jit3A_172 = arith.constant 1920 : i32
    %broadcast_in_dim3A_173 = vector.broadcast %jit3A_172 : i32 to vector<1024x128xi32>
    %select_n3A_174 = arith.select %le3A_171, %select_n3A_163, %broadcast_in_dim3A_173 : vector<1024x128xi1>, vector<1024x128xi32>
    %min3A_175 = arith.minimumf %min3A_164, %add3A_170 : vector<1024x128xf32>
    %slice3A_176 = vector.extract_strided_slice %dot_general3A_9 {offsets = [0, 2048], sizes = [1024, 128], strides = [1, 1]} : vector<1024x8192xf32> to vector<1024x128xf32>
    %sub3A_177 = vector.broadcast %broadcast_in_dim3A : vector<1024x1xf32> to vector<1024x128xf32>
    %sub3A_178 = arith.subf %sub3A_177, %slice3A_176 : vector<1024x128xf32>
    %slice3A_179 = vector.extract_strided_slice %get3A_4 {offsets = [0, 2048], sizes = [1, 128], strides = [1, 1]} : vector<1x8192xf32> to vector<1x128xf32>
    %add3A_180 = vector.broadcast %slice3A_179 : vector<1x128xf32> to vector<1024x128xf32>
    %add3A_181 = arith.addf %sub3A_178, %add3A_180 : vector<1024x128xf32>
    %le3A_182 = arith.cmpf ole, %min3A_175, %add3A_181 : vector<1024x128xf32>
    %jit3A_183 = arith.constant 2048 : i32
    %broadcast_in_dim3A_184 = vector.broadcast %jit3A_183 : i32 to vector<1024x128xi32>
    %select_n3A_185 = arith.select %le3A_182, %select_n3A_174, %broadcast_in_dim3A_184 : vector<1024x128xi1>, vector<1024x128xi32>
    %min3A_186 = arith.minimumf %min3A_175, %add3A_181 : vector<1024x128xf32>
    %slice3A_187 = vector.extract_strided_slice %dot_general3A_9 {offsets = [0, 2176], sizes = [1024, 128], strides = [1, 1]} : vector<1024x8192xf32> to vector<1024x128xf32>
    %sub3A_188 = vector.broadcast %broadcast_in_dim3A : vector<1024x1xf32> to vector<1024x128xf32>
    %sub3A_189 = arith.subf %sub3A_188, %slice3A_187 : vector<1024x128xf32>
    %slice3A_190 = vector.extract_strided_slice %get3A_4 {offsets = [0, 2176], sizes = [1, 128], strides = [1, 1]} : vector<1x8192xf32> to vector<1x128xf32>
    %add3A_191 = vector.broadcast %slice3A_190 : vector<1x128xf32> to vector<1024x128xf32>
    %add3A_192 = arith.addf %sub3A_189, %add3A_191 : vector<1024x128xf32>
    %le3A_193 = arith.cmpf ole, %min3A_186, %add3A_192 : vector<1024x128xf32>
    %jit3A_194 = arith.constant 2176 : i32
    %broadcast_in_dim3A_195 = vector.broadcast %jit3A_194 : i32 to vector<1024x128xi32>
    %select_n3A_196 = arith.select %le3A_193, %select_n3A_185, %broadcast_in_dim3A_195 : vector<1024x128xi1>, vector<1024x128xi32>
    %min3A_197 = arith.minimumf %min3A_186, %add3A_192 : vector<1024x128xf32>
    %slice3A_198 = vector.extract_strided_slice %dot_general3A_9 {offsets = [0, 2304], sizes = [1024, 128], strides = [1, 1]} : vector<1024x8192xf32> to vector<1024x128xf32>
    %sub3A_199 = vector.broadcast %broadcast_in_dim3A : vector<1024x1xf32> to vector<1024x128xf32>
    %sub3A_200 = arith.subf %sub3A_199, %slice3A_198 : vector<1024x128xf32>
    %slice3A_201 = vector.extract_strided_slice %get3A_4 {offsets = [0, 2304], sizes = [1, 128], strides = [1, 1]} : vector<1x8192xf32> to vector<1x128xf32>
    %add3A_202 = vector.broadcast %slice3A_201 : vector<1x128xf32> to vector<1024x128xf32>
    %add3A_203 = arith.addf %sub3A_200, %add3A_202 : vector<1024x128xf32>
    %le3A_204 = arith.cmpf ole, %min3A_197, %add3A_203 : vector<1024x128xf32>
    %jit3A_205 = arith.constant 2304 : i32
    %broadcast_in_dim3A_206 = vector.broadcast %jit3A_205 : i32 to vector<1024x128xi32>
    %select_n3A_207 = arith.select %le3A_204, %select_n3A_196, %broadcast_in_dim3A_206 : vector<1024x128xi1>, vector<1024x128xi32>
    %min3A_208 = arith.minimumf %min3A_197, %add3A_203 : vector<1024x128xf32>
    %slice3A_209 = vector.extract_strided_slice %dot_general3A_9 {offsets = [0, 2432], sizes = [1024, 128], strides = [1, 1]} : vector<1024x8192xf32> to vector<1024x128xf32>
    %sub3A_210 = vector.broadcast %broadcast_in_dim3A : vector<1024x1xf32> to vector<1024x128xf32>
    %sub3A_211 = arith.subf %sub3A_210, %slice3A_209 : vector<1024x128xf32>
    %slice3A_212 = vector.extract_strided_slice %get3A_4 {offsets = [0, 2432], sizes = [1, 128], strides = [1, 1]} : vector<1x8192xf32> to vector<1x128xf32>
    %add3A_213 = vector.broadcast %slice3A_212 : vector<1x128xf32> to vector<1024x128xf32>
    %add3A_214 = arith.addf %sub3A_211, %add3A_213 : vector<1024x128xf32>
    %le3A_215 = arith.cmpf ole, %min3A_208, %add3A_214 : vector<1024x128xf32>
    %jit3A_216 = arith.constant 2432 : i32
    %broadcast_in_dim3A_217 = vector.broadcast %jit3A_216 : i32 to vector<1024x128xi32>
    %select_n3A_218 = arith.select %le3A_215, %select_n3A_207, %broadcast_in_dim3A_217 : vector<1024x128xi1>, vector<1024x128xi32>
    %min3A_219 = arith.minimumf %min3A_208, %add3A_214 : vector<1024x128xf32>
    %slice3A_220 = vector.extract_strided_slice %dot_general3A_9 {offsets = [0, 2560], sizes = [1024, 128], strides = [1, 1]} : vector<1024x8192xf32> to vector<1024x128xf32>
    %sub3A_221 = vector.broadcast %broadcast_in_dim3A : vector<1024x1xf32> to vector<1024x128xf32>
    %sub3A_222 = arith.subf %sub3A_221, %slice3A_220 : vector<1024x128xf32>
    %slice3A_223 = vector.extract_strided_slice %get3A_4 {offsets = [0, 2560], sizes = [1, 128], strides = [1, 1]} : vector<1x8192xf32> to vector<1x128xf32>
    %add3A_224 = vector.broadcast %slice3A_223 : vector<1x128xf32> to vector<1024x128xf32>
    %add3A_225 = arith.addf %sub3A_222, %add3A_224 : vector<1024x128xf32>
    %le3A_226 = arith.cmpf ole, %min3A_219, %add3A_225 : vector<1024x128xf32>
    %jit3A_227 = arith.constant 2560 : i32
    %broadcast_in_dim3A_228 = vector.broadcast %jit3A_227 : i32 to vector<1024x128xi32>
    %select_n3A_229 = arith.select %le3A_226, %select_n3A_218, %broadcast_in_dim3A_228 : vector<1024x128xi1>, vector<1024x128xi32>
    %min3A_230 = arith.minimumf %min3A_219, %add3A_225 : vector<1024x128xf32>
    %slice3A_231 = vector.extract_strided_slice %dot_general3A_9 {offsets = [0, 2688], sizes = [1024, 128], strides = [1, 1]} : vector<1024x8192xf32> to vector<1024x128xf32>
    %sub3A_232 = vector.broadcast %broadcast_in_dim3A : vector<1024x1xf32> to vector<1024x128xf32>
    %sub3A_233 = arith.subf %sub3A_232, %slice3A_231 : vector<1024x128xf32>
    %slice3A_234 = vector.extract_strided_slice %get3A_4 {offsets = [0, 2688], sizes = [1, 128], strides = [1, 1]} : vector<1x8192xf32> to vector<1x128xf32>
    %add3A_235 = vector.broadcast %slice3A_234 : vector<1x128xf32> to vector<1024x128xf32>
    %add3A_236 = arith.addf %sub3A_233, %add3A_235 : vector<1024x128xf32>
    %le3A_237 = arith.cmpf ole, %min3A_230, %add3A_236 : vector<1024x128xf32>
    %jit3A_238 = arith.constant 2688 : i32
    %broadcast_in_dim3A_239 = vector.broadcast %jit3A_238 : i32 to vector<1024x128xi32>
    %select_n3A_240 = arith.select %le3A_237, %select_n3A_229, %broadcast_in_dim3A_239 : vector<1024x128xi1>, vector<1024x128xi32>
    %min3A_241 = arith.minimumf %min3A_230, %add3A_236 : vector<1024x128xf32>
    %slice3A_242 = vector.extract_strided_slice %dot_general3A_9 {offsets = [0, 2816], sizes = [1024, 128], strides = [1, 1]} : vector<1024x8192xf32> to vector<1024x128xf32>
    %sub3A_243 = vector.broadcast %broadcast_in_dim3A : vector<1024x1xf32> to vector<1024x128xf32>
    %sub3A_244 = arith.subf %sub3A_243, %slice3A_242 : vector<1024x128xf32>
    %slice3A_245 = vector.extract_strided_slice %get3A_4 {offsets = [0, 2816], sizes = [1, 128], strides = [1, 1]} : vector<1x8192xf32> to vector<1x128xf32>
    %add3A_246 = vector.broadcast %slice3A_245 : vector<1x128xf32> to vector<1024x128xf32>
    %add3A_247 = arith.addf %sub3A_244, %add3A_246 : vector<1024x128xf32>
    %le3A_248 = arith.cmpf ole, %min3A_241, %add3A_247 : vector<1024x128xf32>
    %jit3A_249 = arith.constant 2816 : i32
    %broadcast_in_dim3A_250 = vector.broadcast %jit3A_249 : i32 to vector<1024x128xi32>
    %select_n3A_251 = arith.select %le3A_248, %select_n3A_240, %broadcast_in_dim3A_250 : vector<1024x128xi1>, vector<1024x128xi32>
    %min3A_252 = arith.minimumf %min3A_241, %add3A_247 : vector<1024x128xf32>
    %slice3A_253 = vector.extract_strided_slice %dot_general3A_9 {offsets = [0, 2944], sizes = [1024, 128], strides = [1, 1]} : vector<1024x8192xf32> to vector<1024x128xf32>
    %sub3A_254 = vector.broadcast %broadcast_in_dim3A : vector<1024x1xf32> to vector<1024x128xf32>
    %sub3A_255 = arith.subf %sub3A_254, %slice3A_253 : vector<1024x128xf32>
    %slice3A_256 = vector.extract_strided_slice %get3A_4 {offsets = [0, 2944], sizes = [1, 128], strides = [1, 1]} : vector<1x8192xf32> to vector<1x128xf32>
    %add3A_257 = vector.broadcast %slice3A_256 : vector<1x128xf32> to vector<1024x128xf32>
    %add3A_258 = arith.addf %sub3A_255, %add3A_257 : vector<1024x128xf32>
    %le3A_259 = arith.cmpf ole, %min3A_252, %add3A_258 : vector<1024x128xf32>
    %jit3A_260 = arith.constant 2944 : i32
    %broadcast_in_dim3A_261 = vector.broadcast %jit3A_260 : i32 to vector<1024x128xi32>
    %select_n3A_262 = arith.select %le3A_259, %select_n3A_251, %broadcast_in_dim3A_261 : vector<1024x128xi1>, vector<1024x128xi32>
    %min3A_263 = arith.minimumf %min3A_252, %add3A_258 : vector<1024x128xf32>
    %slice3A_264 = vector.extract_strided_slice %dot_general3A_9 {offsets = [0, 3072], sizes = [1024, 128], strides = [1, 1]} : vector<1024x8192xf32> to vector<1024x128xf32>
    %sub3A_265 = vector.broadcast %broadcast_in_dim3A : vector<1024x1xf32> to vector<1024x128xf32>
    %sub3A_266 = arith.subf %sub3A_265, %slice3A_264 : vector<1024x128xf32>
    %slice3A_267 = vector.extract_strided_slice %get3A_4 {offsets = [0, 3072], sizes = [1, 128], strides = [1, 1]} : vector<1x8192xf32> to vector<1x128xf32>
    %add3A_268 = vector.broadcast %slice3A_267 : vector<1x128xf32> to vector<1024x128xf32>
    %add3A_269 = arith.addf %sub3A_266, %add3A_268 : vector<1024x128xf32>
    %le3A_270 = arith.cmpf ole, %min3A_263, %add3A_269 : vector<1024x128xf32>
    %jit3A_271 = arith.constant 3072 : i32
    %broadcast_in_dim3A_272 = vector.broadcast %jit3A_271 : i32 to vector<1024x128xi32>
    %select_n3A_273 = arith.select %le3A_270, %select_n3A_262, %broadcast_in_dim3A_272 : vector<1024x128xi1>, vector<1024x128xi32>
    %min3A_274 = arith.minimumf %min3A_263, %add3A_269 : vector<1024x128xf32>
    %slice3A_275 = vector.extract_strided_slice %dot_general3A_9 {offsets = [0, 3200], sizes = [1024, 128], strides = [1, 1]} : vector<1024x8192xf32> to vector<1024x128xf32>
    %sub3A_276 = vector.broadcast %broadcast_in_dim3A : vector<1024x1xf32> to vector<1024x128xf32>
    %sub3A_277 = arith.subf %sub3A_276, %slice3A_275 : vector<1024x128xf32>
    %slice3A_278 = vector.extract_strided_slice %get3A_4 {offsets = [0, 3200], sizes = [1, 128], strides = [1, 1]} : vector<1x8192xf32> to vector<1x128xf32>
    %add3A_279 = vector.broadcast %slice3A_278 : vector<1x128xf32> to vector<1024x128xf32>
    %add3A_280 = arith.addf %sub3A_277, %add3A_279 : vector<1024x128xf32>
    %le3A_281 = arith.cmpf ole, %min3A_274, %add3A_280 : vector<1024x128xf32>
    %jit3A_282 = arith.constant 3200 : i32
    %broadcast_in_dim3A_283 = vector.broadcast %jit3A_282 : i32 to vector<1024x128xi32>
    %select_n3A_284 = arith.select %le3A_281, %select_n3A_273, %broadcast_in_dim3A_283 : vector<1024x128xi1>, vector<1024x128xi32>
    %min3A_285 = arith.minimumf %min3A_274, %add3A_280 : vector<1024x128xf32>
    %slice3A_286 = vector.extract_strided_slice %dot_general3A_9 {offsets = [0, 3328], sizes = [1024, 128], strides = [1, 1]} : vector<1024x8192xf32> to vector<1024x128xf32>
    %sub3A_287 = vector.broadcast %broadcast_in_dim3A : vector<1024x1xf32> to vector<1024x128xf32>
    %sub3A_288 = arith.subf %sub3A_287, %slice3A_286 : vector<1024x128xf32>
    %slice3A_289 = vector.extract_strided_slice %get3A_4 {offsets = [0, 3328], sizes = [1, 128], strides = [1, 1]} : vector<1x8192xf32> to vector<1x128xf32>
    %add3A_290 = vector.broadcast %slice3A_289 : vector<1x128xf32> to vector<1024x128xf32>
    %add3A_291 = arith.addf %sub3A_288, %add3A_290 : vector<1024x128xf32>
    %le3A_292 = arith.cmpf ole, %min3A_285, %add3A_291 : vector<1024x128xf32>
    %jit3A_293 = arith.constant 3328 : i32
    %broadcast_in_dim3A_294 = vector.broadcast %jit3A_293 : i32 to vector<1024x128xi32>
    %select_n3A_295 = arith.select %le3A_292, %select_n3A_284, %broadcast_in_dim3A_294 : vector<1024x128xi1>, vector<1024x128xi32>
    %min3A_296 = arith.minimumf %min3A_285, %add3A_291 : vector<1024x128xf32>
    %slice3A_297 = vector.extract_strided_slice %dot_general3A_9 {offsets = [0, 3456], sizes = [1024, 128], strides = [1, 1]} : vector<1024x8192xf32> to vector<1024x128xf32>
    %sub3A_298 = vector.broadcast %broadcast_in_dim3A : vector<1024x1xf32> to vector<1024x128xf32>
    %sub3A_299 = arith.subf %sub3A_298, %slice3A_297 : vector<1024x128xf32>
    %slice3A_300 = vector.extract_strided_slice %get3A_4 {offsets = [0, 3456], sizes = [1, 128], strides = [1, 1]} : vector<1x8192xf32> to vector<1x128xf32>
    %add3A_301 = vector.broadcast %slice3A_300 : vector<1x128xf32> to vector<1024x128xf32>
    %add3A_302 = arith.addf %sub3A_299, %add3A_301 : vector<1024x128xf32>
    %le3A_303 = arith.cmpf ole, %min3A_296, %add3A_302 : vector<1024x128xf32>
    %jit3A_304 = arith.constant 3456 : i32
    %broadcast_in_dim3A_305 = vector.broadcast %jit3A_304 : i32 to vector<1024x128xi32>
    %select_n3A_306 = arith.select %le3A_303, %select_n3A_295, %broadcast_in_dim3A_305 : vector<1024x128xi1>, vector<1024x128xi32>
    %min3A_307 = arith.minimumf %min3A_296, %add3A_302 : vector<1024x128xf32>
    %slice3A_308 = vector.extract_strided_slice %dot_general3A_9 {offsets = [0, 3584], sizes = [1024, 128], strides = [1, 1]} : vector<1024x8192xf32> to vector<1024x128xf32>
    %sub3A_309 = vector.broadcast %broadcast_in_dim3A : vector<1024x1xf32> to vector<1024x128xf32>
    %sub3A_310 = arith.subf %sub3A_309, %slice3A_308 : vector<1024x128xf32>
    %slice3A_311 = vector.extract_strided_slice %get3A_4 {offsets = [0, 3584], sizes = [1, 128], strides = [1, 1]} : vector<1x8192xf32> to vector<1x128xf32>
    %add3A_312 = vector.broadcast %slice3A_311 : vector<1x128xf32> to vector<1024x128xf32>
    %add3A_313 = arith.addf %sub3A_310, %add3A_312 : vector<1024x128xf32>
    %le3A_314 = arith.cmpf ole, %min3A_307, %add3A_313 : vector<1024x128xf32>
    %jit3A_315 = arith.constant 3584 : i32
    %broadcast_in_dim3A_316 = vector.broadcast %jit3A_315 : i32 to vector<1024x128xi32>
    %select_n3A_317 = arith.select %le3A_314, %select_n3A_306, %broadcast_in_dim3A_316 : vector<1024x128xi1>, vector<1024x128xi32>
    %min3A_318 = arith.minimumf %min3A_307, %add3A_313 : vector<1024x128xf32>
    %slice3A_319 = vector.extract_strided_slice %dot_general3A_9 {offsets = [0, 3712], sizes = [1024, 128], strides = [1, 1]} : vector<1024x8192xf32> to vector<1024x128xf32>
    %sub3A_320 = vector.broadcast %broadcast_in_dim3A : vector<1024x1xf32> to vector<1024x128xf32>
    %sub3A_321 = arith.subf %sub3A_320, %slice3A_319 : vector<1024x128xf32>
    %slice3A_322 = vector.extract_strided_slice %get3A_4 {offsets = [0, 3712], sizes = [1, 128], strides = [1, 1]} : vector<1x8192xf32> to vector<1x128xf32>
    %add3A_323 = vector.broadcast %slice3A_322 : vector<1x128xf32> to vector<1024x128xf32>
    %add3A_324 = arith.addf %sub3A_321, %add3A_323 : vector<1024x128xf32>
    %le3A_325 = arith.cmpf ole, %min3A_318, %add3A_324 : vector<1024x128xf32>
    %jit3A_326 = arith.constant 3712 : i32
    %broadcast_in_dim3A_327 = vector.broadcast %jit3A_326 : i32 to vector<1024x128xi32>
    %select_n3A_328 = arith.select %le3A_325, %select_n3A_317, %broadcast_in_dim3A_327 : vector<1024x128xi1>, vector<1024x128xi32>
    %min3A_329 = arith.minimumf %min3A_318, %add3A_324 : vector<1024x128xf32>
    %slice3A_330 = vector.extract_strided_slice %dot_general3A_9 {offsets = [0, 3840], sizes = [1024, 128], strides = [1, 1]} : vector<1024x8192xf32> to vector<1024x128xf32>
    %sub3A_331 = vector.broadcast %broadcast_in_dim3A : vector<1024x1xf32> to vector<1024x128xf32>
    %sub3A_332 = arith.subf %sub3A_331, %slice3A_330 : vector<1024x128xf32>
    %slice3A_333 = vector.extract_strided_slice %get3A_4 {offsets = [0, 3840], sizes = [1, 128], strides = [1, 1]} : vector<1x8192xf32> to vector<1x128xf32>
    %add3A_334 = vector.broadcast %slice3A_333 : vector<1x128xf32> to vector<1024x128xf32>
    %add3A_335 = arith.addf %sub3A_332, %add3A_334 : vector<1024x128xf32>
    %le3A_336 = arith.cmpf ole, %min3A_329, %add3A_335 : vector<1024x128xf32>
    %jit3A_337 = arith.constant 3840 : i32
    %broadcast_in_dim3A_338 = vector.broadcast %jit3A_337 : i32 to vector<1024x128xi32>
    %select_n3A_339 = arith.select %le3A_336, %select_n3A_328, %broadcast_in_dim3A_338 : vector<1024x128xi1>, vector<1024x128xi32>
    %min3A_340 = arith.minimumf %min3A_329, %add3A_335 : vector<1024x128xf32>
    %slice3A_341 = vector.extract_strided_slice %dot_general3A_9 {offsets = [0, 3968], sizes = [1024, 128], strides = [1, 1]} : vector<1024x8192xf32> to vector<1024x128xf32>
    %sub3A_342 = vector.broadcast %broadcast_in_dim3A : vector<1024x1xf32> to vector<1024x128xf32>
    %sub3A_343 = arith.subf %sub3A_342, %slice3A_341 : vector<1024x128xf32>
    %slice3A_344 = vector.extract_strided_slice %get3A_4 {offsets = [0, 3968], sizes = [1, 128], strides = [1, 1]} : vector<1x8192xf32> to vector<1x128xf32>
    %add3A_345 = vector.broadcast %slice3A_344 : vector<1x128xf32> to vector<1024x128xf32>
    %add3A_346 = arith.addf %sub3A_343, %add3A_345 : vector<1024x128xf32>
    %le3A_347 = arith.cmpf ole, %min3A_340, %add3A_346 : vector<1024x128xf32>
    %jit3A_348 = arith.constant 3968 : i32
    %broadcast_in_dim3A_349 = vector.broadcast %jit3A_348 : i32 to vector<1024x128xi32>
    %select_n3A_350 = arith.select %le3A_347, %select_n3A_339, %broadcast_in_dim3A_349 : vector<1024x128xi1>, vector<1024x128xi32>
    %min3A_351 = arith.minimumf %min3A_340, %add3A_346 : vector<1024x128xf32>
    %reduce_min3A = arith.constant dense<0x7F800000> : vector<1024xf32>
    %reduce_min3A_352 = vector.multi_reduction <minimumf>, %min3A_351, %reduce_min3A [1] : vector<1024x128xf32> to vector<1024xf32>
    %iota3A = tpu.iota {dimensions = array<i32: 1>} : vector<1024x128xi32>
    %broadcast_in_dim3A_353 = vector.shape_cast %reduce_min3A_352 : vector<1024xf32> to vector<1024x1xf32>
    %eq3A = vector.broadcast %broadcast_in_dim3A_353 : vector<1024x1xf32> to vector<1024x128xf32>
    %eq3A_354 = arith.cmpf oeq, %min3A_351, %eq3A : vector<1024x128xf32>
    %add3A_355 = arith.addi %select_n3A_350, %iota3A : vector<1024x128xi32>
    %jit3A_356 = arith.constant 8192 : i32
    %broadcast_in_dim3A_357 = vector.broadcast %jit3A_356 : i32 to vector<1024x128xi32>
    %select_n3A_358 = arith.select %eq3A_354, %add3A_355, %broadcast_in_dim3A_357 : vector<1024x128xi1>, vector<1024x128xi32>
    %reduce_min3A_359 = arith.constant dense<2147483647> : vector<1024xi32>
    %reduce_min3A_360 = vector.multi_reduction <minsi>, %select_n3A_358, %reduce_min3A_359 [1] : vector<1024x128xi32> to vector<1024xi32>
    %slice3A_361 = vector.extract_strided_slice %dot_general3A_9 {offsets = [0, 4096], sizes = [1024, 128], strides = [1, 1]} : vector<1024x8192xf32> to vector<1024x128xf32>
    %sub3A_362 = vector.broadcast %broadcast_in_dim3A : vector<1024x1xf32> to vector<1024x128xf32>
    %sub3A_363 = arith.subf %sub3A_362, %slice3A_361 : vector<1024x128xf32>
    %slice3A_364 = vector.extract_strided_slice %get3A_4 {offsets = [0, 4096], sizes = [1, 128], strides = [1, 1]} : vector<1x8192xf32> to vector<1x128xf32>
    %add3A_365 = vector.broadcast %slice3A_364 : vector<1x128xf32> to vector<1024x128xf32>
    %add3A_366 = arith.addf %sub3A_363, %add3A_365 : vector<1024x128xf32>
    %broadcast_in_dim3A_367 = arith.constant 0 : i32
    %broadcast_in_dim3A_368 = vector.broadcast %broadcast_in_dim3A_367 : i32 to vector<1024x128xi32>
    %slice3A_369 = vector.extract_strided_slice %dot_general3A_9 {offsets = [0, 4224], sizes = [1024, 128], strides = [1, 1]} : vector<1024x8192xf32> to vector<1024x128xf32>
    %sub3A_370 = vector.broadcast %broadcast_in_dim3A : vector<1024x1xf32> to vector<1024x128xf32>
    %sub3A_371 = arith.subf %sub3A_370, %slice3A_369 : vector<1024x128xf32>
    %slice3A_372 = vector.extract_strided_slice %get3A_4 {offsets = [0, 4224], sizes = [1, 128], strides = [1, 1]} : vector<1x8192xf32> to vector<1x128xf32>
    %add3A_373 = vector.broadcast %slice3A_372 : vector<1x128xf32> to vector<1024x128xf32>
    %add3A_374 = arith.addf %sub3A_371, %add3A_373 : vector<1024x128xf32>
    %le3A_375 = arith.cmpf ole, %add3A_366, %add3A_374 : vector<1024x128xf32>
    %jit3A_376 = arith.constant 128 : i32
    %broadcast_in_dim3A_377 = vector.broadcast %jit3A_376 : i32 to vector<1024x128xi32>
    %select_n3A_378 = arith.select %le3A_375, %broadcast_in_dim3A_368, %broadcast_in_dim3A_377 : vector<1024x128xi1>, vector<1024x128xi32>
    %min3A_379 = arith.minimumf %add3A_366, %add3A_374 : vector<1024x128xf32>
    %slice3A_380 = vector.extract_strided_slice %dot_general3A_9 {offsets = [0, 4352], sizes = [1024, 128], strides = [1, 1]} : vector<1024x8192xf32> to vector<1024x128xf32>
    %sub3A_381 = vector.broadcast %broadcast_in_dim3A : vector<1024x1xf32> to vector<1024x128xf32>
    %sub3A_382 = arith.subf %sub3A_381, %slice3A_380 : vector<1024x128xf32>
    %slice3A_383 = vector.extract_strided_slice %get3A_4 {offsets = [0, 4352], sizes = [1, 128], strides = [1, 1]} : vector<1x8192xf32> to vector<1x128xf32>
    %add3A_384 = vector.broadcast %slice3A_383 : vector<1x128xf32> to vector<1024x128xf32>
    %add3A_385 = arith.addf %sub3A_382, %add3A_384 : vector<1024x128xf32>
    %le3A_386 = arith.cmpf ole, %min3A_379, %add3A_385 : vector<1024x128xf32>
    %jit3A_387 = arith.constant 256 : i32
    %broadcast_in_dim3A_388 = vector.broadcast %jit3A_387 : i32 to vector<1024x128xi32>
    %select_n3A_389 = arith.select %le3A_386, %select_n3A_378, %broadcast_in_dim3A_388 : vector<1024x128xi1>, vector<1024x128xi32>
    %min3A_390 = arith.minimumf %min3A_379, %add3A_385 : vector<1024x128xf32>
    %slice3A_391 = vector.extract_strided_slice %dot_general3A_9 {offsets = [0, 4480], sizes = [1024, 128], strides = [1, 1]} : vector<1024x8192xf32> to vector<1024x128xf32>
    %sub3A_392 = vector.broadcast %broadcast_in_dim3A : vector<1024x1xf32> to vector<1024x128xf32>
    %sub3A_393 = arith.subf %sub3A_392, %slice3A_391 : vector<1024x128xf32>
    %slice3A_394 = vector.extract_strided_slice %get3A_4 {offsets = [0, 4480], sizes = [1, 128], strides = [1, 1]} : vector<1x8192xf32> to vector<1x128xf32>
    %add3A_395 = vector.broadcast %slice3A_394 : vector<1x128xf32> to vector<1024x128xf32>
    %add3A_396 = arith.addf %sub3A_393, %add3A_395 : vector<1024x128xf32>
    %le3A_397 = arith.cmpf ole, %min3A_390, %add3A_396 : vector<1024x128xf32>
    %jit3A_398 = arith.constant 384 : i32
    %broadcast_in_dim3A_399 = vector.broadcast %jit3A_398 : i32 to vector<1024x128xi32>
    %select_n3A_400 = arith.select %le3A_397, %select_n3A_389, %broadcast_in_dim3A_399 : vector<1024x128xi1>, vector<1024x128xi32>
    %min3A_401 = arith.minimumf %min3A_390, %add3A_396 : vector<1024x128xf32>
    %slice3A_402 = vector.extract_strided_slice %dot_general3A_9 {offsets = [0, 4608], sizes = [1024, 128], strides = [1, 1]} : vector<1024x8192xf32> to vector<1024x128xf32>
    %sub3A_403 = vector.broadcast %broadcast_in_dim3A : vector<1024x1xf32> to vector<1024x128xf32>
    %sub3A_404 = arith.subf %sub3A_403, %slice3A_402 : vector<1024x128xf32>
    %slice3A_405 = vector.extract_strided_slice %get3A_4 {offsets = [0, 4608], sizes = [1, 128], strides = [1, 1]} : vector<1x8192xf32> to vector<1x128xf32>
    %add3A_406 = vector.broadcast %slice3A_405 : vector<1x128xf32> to vector<1024x128xf32>
    %add3A_407 = arith.addf %sub3A_404, %add3A_406 : vector<1024x128xf32>
    %le3A_408 = arith.cmpf ole, %min3A_401, %add3A_407 : vector<1024x128xf32>
    %jit3A_409 = arith.constant 512 : i32
    %broadcast_in_dim3A_410 = vector.broadcast %jit3A_409 : i32 to vector<1024x128xi32>
    %select_n3A_411 = arith.select %le3A_408, %select_n3A_400, %broadcast_in_dim3A_410 : vector<1024x128xi1>, vector<1024x128xi32>
    %min3A_412 = arith.minimumf %min3A_401, %add3A_407 : vector<1024x128xf32>
    %slice3A_413 = vector.extract_strided_slice %dot_general3A_9 {offsets = [0, 4736], sizes = [1024, 128], strides = [1, 1]} : vector<1024x8192xf32> to vector<1024x128xf32>
    %sub3A_414 = vector.broadcast %broadcast_in_dim3A : vector<1024x1xf32> to vector<1024x128xf32>
    %sub3A_415 = arith.subf %sub3A_414, %slice3A_413 : vector<1024x128xf32>
    %slice3A_416 = vector.extract_strided_slice %get3A_4 {offsets = [0, 4736], sizes = [1, 128], strides = [1, 1]} : vector<1x8192xf32> to vector<1x128xf32>
    %add3A_417 = vector.broadcast %slice3A_416 : vector<1x128xf32> to vector<1024x128xf32>
    %add3A_418 = arith.addf %sub3A_415, %add3A_417 : vector<1024x128xf32>
    %le3A_419 = arith.cmpf ole, %min3A_412, %add3A_418 : vector<1024x128xf32>
    %jit3A_420 = arith.constant 640 : i32
    %broadcast_in_dim3A_421 = vector.broadcast %jit3A_420 : i32 to vector<1024x128xi32>
    %select_n3A_422 = arith.select %le3A_419, %select_n3A_411, %broadcast_in_dim3A_421 : vector<1024x128xi1>, vector<1024x128xi32>
    %min3A_423 = arith.minimumf %min3A_412, %add3A_418 : vector<1024x128xf32>
    %slice3A_424 = vector.extract_strided_slice %dot_general3A_9 {offsets = [0, 4864], sizes = [1024, 128], strides = [1, 1]} : vector<1024x8192xf32> to vector<1024x128xf32>
    %sub3A_425 = vector.broadcast %broadcast_in_dim3A : vector<1024x1xf32> to vector<1024x128xf32>
    %sub3A_426 = arith.subf %sub3A_425, %slice3A_424 : vector<1024x128xf32>
    %slice3A_427 = vector.extract_strided_slice %get3A_4 {offsets = [0, 4864], sizes = [1, 128], strides = [1, 1]} : vector<1x8192xf32> to vector<1x128xf32>
    %add3A_428 = vector.broadcast %slice3A_427 : vector<1x128xf32> to vector<1024x128xf32>
    %add3A_429 = arith.addf %sub3A_426, %add3A_428 : vector<1024x128xf32>
    %le3A_430 = arith.cmpf ole, %min3A_423, %add3A_429 : vector<1024x128xf32>
    %jit3A_431 = arith.constant 768 : i32
    %broadcast_in_dim3A_432 = vector.broadcast %jit3A_431 : i32 to vector<1024x128xi32>
    %select_n3A_433 = arith.select %le3A_430, %select_n3A_422, %broadcast_in_dim3A_432 : vector<1024x128xi1>, vector<1024x128xi32>
    %min3A_434 = arith.minimumf %min3A_423, %add3A_429 : vector<1024x128xf32>
    %slice3A_435 = vector.extract_strided_slice %dot_general3A_9 {offsets = [0, 4992], sizes = [1024, 128], strides = [1, 1]} : vector<1024x8192xf32> to vector<1024x128xf32>
    %sub3A_436 = vector.broadcast %broadcast_in_dim3A : vector<1024x1xf32> to vector<1024x128xf32>
    %sub3A_437 = arith.subf %sub3A_436, %slice3A_435 : vector<1024x128xf32>
    %slice3A_438 = vector.extract_strided_slice %get3A_4 {offsets = [0, 4992], sizes = [1, 128], strides = [1, 1]} : vector<1x8192xf32> to vector<1x128xf32>
    %add3A_439 = vector.broadcast %slice3A_438 : vector<1x128xf32> to vector<1024x128xf32>
    %add3A_440 = arith.addf %sub3A_437, %add3A_439 : vector<1024x128xf32>
    %le3A_441 = arith.cmpf ole, %min3A_434, %add3A_440 : vector<1024x128xf32>
    %jit3A_442 = arith.constant 896 : i32
    %broadcast_in_dim3A_443 = vector.broadcast %jit3A_442 : i32 to vector<1024x128xi32>
    %select_n3A_444 = arith.select %le3A_441, %select_n3A_433, %broadcast_in_dim3A_443 : vector<1024x128xi1>, vector<1024x128xi32>
    %min3A_445 = arith.minimumf %min3A_434, %add3A_440 : vector<1024x128xf32>
    %slice3A_446 = vector.extract_strided_slice %dot_general3A_9 {offsets = [0, 5120], sizes = [1024, 128], strides = [1, 1]} : vector<1024x8192xf32> to vector<1024x128xf32>
    %sub3A_447 = vector.broadcast %broadcast_in_dim3A : vector<1024x1xf32> to vector<1024x128xf32>
    %sub3A_448 = arith.subf %sub3A_447, %slice3A_446 : vector<1024x128xf32>
    %slice3A_449 = vector.extract_strided_slice %get3A_4 {offsets = [0, 5120], sizes = [1, 128], strides = [1, 1]} : vector<1x8192xf32> to vector<1x128xf32>
    %add3A_450 = vector.broadcast %slice3A_449 : vector<1x128xf32> to vector<1024x128xf32>
    %add3A_451 = arith.addf %sub3A_448, %add3A_450 : vector<1024x128xf32>
    %le3A_452 = arith.cmpf ole, %min3A_445, %add3A_451 : vector<1024x128xf32>
    %jit3A_453 = arith.constant 1024 : i32
    %broadcast_in_dim3A_454 = vector.broadcast %jit3A_453 : i32 to vector<1024x128xi32>
    %select_n3A_455 = arith.select %le3A_452, %select_n3A_444, %broadcast_in_dim3A_454 : vector<1024x128xi1>, vector<1024x128xi32>
    %min3A_456 = arith.minimumf %min3A_445, %add3A_451 : vector<1024x128xf32>
    %slice3A_457 = vector.extract_strided_slice %dot_general3A_9 {offsets = [0, 5248], sizes = [1024, 128], strides = [1, 1]} : vector<1024x8192xf32> to vector<1024x128xf32>
    %sub3A_458 = vector.broadcast %broadcast_in_dim3A : vector<1024x1xf32> to vector<1024x128xf32>
    %sub3A_459 = arith.subf %sub3A_458, %slice3A_457 : vector<1024x128xf32>
    %slice3A_460 = vector.extract_strided_slice %get3A_4 {offsets = [0, 5248], sizes = [1, 128], strides = [1, 1]} : vector<1x8192xf32> to vector<1x128xf32>
    %add3A_461 = vector.broadcast %slice3A_460 : vector<1x128xf32> to vector<1024x128xf32>
    %add3A_462 = arith.addf %sub3A_459, %add3A_461 : vector<1024x128xf32>
    %le3A_463 = arith.cmpf ole, %min3A_456, %add3A_462 : vector<1024x128xf32>
    %jit3A_464 = arith.constant 1152 : i32
    %broadcast_in_dim3A_465 = vector.broadcast %jit3A_464 : i32 to vector<1024x128xi32>
    %select_n3A_466 = arith.select %le3A_463, %select_n3A_455, %broadcast_in_dim3A_465 : vector<1024x128xi1>, vector<1024x128xi32>
    %min3A_467 = arith.minimumf %min3A_456, %add3A_462 : vector<1024x128xf32>
    %slice3A_468 = vector.extract_strided_slice %dot_general3A_9 {offsets = [0, 5376], sizes = [1024, 128], strides = [1, 1]} : vector<1024x8192xf32> to vector<1024x128xf32>
    %sub3A_469 = vector.broadcast %broadcast_in_dim3A : vector<1024x1xf32> to vector<1024x128xf32>
    %sub3A_470 = arith.subf %sub3A_469, %slice3A_468 : vector<1024x128xf32>
    %slice3A_471 = vector.extract_strided_slice %get3A_4 {offsets = [0, 5376], sizes = [1, 128], strides = [1, 1]} : vector<1x8192xf32> to vector<1x128xf32>
    %add3A_472 = vector.broadcast %slice3A_471 : vector<1x128xf32> to vector<1024x128xf32>
    %add3A_473 = arith.addf %sub3A_470, %add3A_472 : vector<1024x128xf32>
    %le3A_474 = arith.cmpf ole, %min3A_467, %add3A_473 : vector<1024x128xf32>
    %jit3A_475 = arith.constant 1280 : i32
    %broadcast_in_dim3A_476 = vector.broadcast %jit3A_475 : i32 to vector<1024x128xi32>
    %select_n3A_477 = arith.select %le3A_474, %select_n3A_466, %broadcast_in_dim3A_476 : vector<1024x128xi1>, vector<1024x128xi32>
    %min3A_478 = arith.minimumf %min3A_467, %add3A_473 : vector<1024x128xf32>
    %slice3A_479 = vector.extract_strided_slice %dot_general3A_9 {offsets = [0, 5504], sizes = [1024, 128], strides = [1, 1]} : vector<1024x8192xf32> to vector<1024x128xf32>
    %sub3A_480 = vector.broadcast %broadcast_in_dim3A : vector<1024x1xf32> to vector<1024x128xf32>
    %sub3A_481 = arith.subf %sub3A_480, %slice3A_479 : vector<1024x128xf32>
    %slice3A_482 = vector.extract_strided_slice %get3A_4 {offsets = [0, 5504], sizes = [1, 128], strides = [1, 1]} : vector<1x8192xf32> to vector<1x128xf32>
    %add3A_483 = vector.broadcast %slice3A_482 : vector<1x128xf32> to vector<1024x128xf32>
    %add3A_484 = arith.addf %sub3A_481, %add3A_483 : vector<1024x128xf32>
    %le3A_485 = arith.cmpf ole, %min3A_478, %add3A_484 : vector<1024x128xf32>
    %jit3A_486 = arith.constant 1408 : i32
    %broadcast_in_dim3A_487 = vector.broadcast %jit3A_486 : i32 to vector<1024x128xi32>
    %select_n3A_488 = arith.select %le3A_485, %select_n3A_477, %broadcast_in_dim3A_487 : vector<1024x128xi1>, vector<1024x128xi32>
    %min3A_489 = arith.minimumf %min3A_478, %add3A_484 : vector<1024x128xf32>
    %slice3A_490 = vector.extract_strided_slice %dot_general3A_9 {offsets = [0, 5632], sizes = [1024, 128], strides = [1, 1]} : vector<1024x8192xf32> to vector<1024x128xf32>
    %sub3A_491 = vector.broadcast %broadcast_in_dim3A : vector<1024x1xf32> to vector<1024x128xf32>
    %sub3A_492 = arith.subf %sub3A_491, %slice3A_490 : vector<1024x128xf32>
    %slice3A_493 = vector.extract_strided_slice %get3A_4 {offsets = [0, 5632], sizes = [1, 128], strides = [1, 1]} : vector<1x8192xf32> to vector<1x128xf32>
    %add3A_494 = vector.broadcast %slice3A_493 : vector<1x128xf32> to vector<1024x128xf32>
    %add3A_495 = arith.addf %sub3A_492, %add3A_494 : vector<1024x128xf32>
    %le3A_496 = arith.cmpf ole, %min3A_489, %add3A_495 : vector<1024x128xf32>
    %jit3A_497 = arith.constant 1536 : i32
    %broadcast_in_dim3A_498 = vector.broadcast %jit3A_497 : i32 to vector<1024x128xi32>
    %select_n3A_499 = arith.select %le3A_496, %select_n3A_488, %broadcast_in_dim3A_498 : vector<1024x128xi1>, vector<1024x128xi32>
    %min3A_500 = arith.minimumf %min3A_489, %add3A_495 : vector<1024x128xf32>
    %slice3A_501 = vector.extract_strided_slice %dot_general3A_9 {offsets = [0, 5760], sizes = [1024, 128], strides = [1, 1]} : vector<1024x8192xf32> to vector<1024x128xf32>
    %sub3A_502 = vector.broadcast %broadcast_in_dim3A : vector<1024x1xf32> to vector<1024x128xf32>
    %sub3A_503 = arith.subf %sub3A_502, %slice3A_501 : vector<1024x128xf32>
    %slice3A_504 = vector.extract_strided_slice %get3A_4 {offsets = [0, 5760], sizes = [1, 128], strides = [1, 1]} : vector<1x8192xf32> to vector<1x128xf32>
    %add3A_505 = vector.broadcast %slice3A_504 : vector<1x128xf32> to vector<1024x128xf32>
    %add3A_506 = arith.addf %sub3A_503, %add3A_505 : vector<1024x128xf32>
    %le3A_507 = arith.cmpf ole, %min3A_500, %add3A_506 : vector<1024x128xf32>
    %jit3A_508 = arith.constant 1664 : i32
    %broadcast_in_dim3A_509 = vector.broadcast %jit3A_508 : i32 to vector<1024x128xi32>
    %select_n3A_510 = arith.select %le3A_507, %select_n3A_499, %broadcast_in_dim3A_509 : vector<1024x128xi1>, vector<1024x128xi32>
    %min3A_511 = arith.minimumf %min3A_500, %add3A_506 : vector<1024x128xf32>
    %slice3A_512 = vector.extract_strided_slice %dot_general3A_9 {offsets = [0, 5888], sizes = [1024, 128], strides = [1, 1]} : vector<1024x8192xf32> to vector<1024x128xf32>
    %sub3A_513 = vector.broadcast %broadcast_in_dim3A : vector<1024x1xf32> to vector<1024x128xf32>
    %sub3A_514 = arith.subf %sub3A_513, %slice3A_512 : vector<1024x128xf32>
    %slice3A_515 = vector.extract_strided_slice %get3A_4 {offsets = [0, 5888], sizes = [1, 128], strides = [1, 1]} : vector<1x8192xf32> to vector<1x128xf32>
    %add3A_516 = vector.broadcast %slice3A_515 : vector<1x128xf32> to vector<1024x128xf32>
    %add3A_517 = arith.addf %sub3A_514, %add3A_516 : vector<1024x128xf32>
    %le3A_518 = arith.cmpf ole, %min3A_511, %add3A_517 : vector<1024x128xf32>
    %jit3A_519 = arith.constant 1792 : i32
    %broadcast_in_dim3A_520 = vector.broadcast %jit3A_519 : i32 to vector<1024x128xi32>
    %select_n3A_521 = arith.select %le3A_518, %select_n3A_510, %broadcast_in_dim3A_520 : vector<1024x128xi1>, vector<1024x128xi32>
    %min3A_522 = arith.minimumf %min3A_511, %add3A_517 : vector<1024x128xf32>
    %slice3A_523 = vector.extract_strided_slice %dot_general3A_9 {offsets = [0, 6016], sizes = [1024, 128], strides = [1, 1]} : vector<1024x8192xf32> to vector<1024x128xf32>
    %sub3A_524 = vector.broadcast %broadcast_in_dim3A : vector<1024x1xf32> to vector<1024x128xf32>
    %sub3A_525 = arith.subf %sub3A_524, %slice3A_523 : vector<1024x128xf32>
    %slice3A_526 = vector.extract_strided_slice %get3A_4 {offsets = [0, 6016], sizes = [1, 128], strides = [1, 1]} : vector<1x8192xf32> to vector<1x128xf32>
    %add3A_527 = vector.broadcast %slice3A_526 : vector<1x128xf32> to vector<1024x128xf32>
    %add3A_528 = arith.addf %sub3A_525, %add3A_527 : vector<1024x128xf32>
    %le3A_529 = arith.cmpf ole, %min3A_522, %add3A_528 : vector<1024x128xf32>
    %jit3A_530 = arith.constant 1920 : i32
    %broadcast_in_dim3A_531 = vector.broadcast %jit3A_530 : i32 to vector<1024x128xi32>
    %select_n3A_532 = arith.select %le3A_529, %select_n3A_521, %broadcast_in_dim3A_531 : vector<1024x128xi1>, vector<1024x128xi32>
    %min3A_533 = arith.minimumf %min3A_522, %add3A_528 : vector<1024x128xf32>
    %slice3A_534 = vector.extract_strided_slice %dot_general3A_9 {offsets = [0, 6144], sizes = [1024, 128], strides = [1, 1]} : vector<1024x8192xf32> to vector<1024x128xf32>
    %sub3A_535 = vector.broadcast %broadcast_in_dim3A : vector<1024x1xf32> to vector<1024x128xf32>
    %sub3A_536 = arith.subf %sub3A_535, %slice3A_534 : vector<1024x128xf32>
    %slice3A_537 = vector.extract_strided_slice %get3A_4 {offsets = [0, 6144], sizes = [1, 128], strides = [1, 1]} : vector<1x8192xf32> to vector<1x128xf32>
    %add3A_538 = vector.broadcast %slice3A_537 : vector<1x128xf32> to vector<1024x128xf32>
    %add3A_539 = arith.addf %sub3A_536, %add3A_538 : vector<1024x128xf32>
    %le3A_540 = arith.cmpf ole, %min3A_533, %add3A_539 : vector<1024x128xf32>
    %jit3A_541 = arith.constant 2048 : i32
    %broadcast_in_dim3A_542 = vector.broadcast %jit3A_541 : i32 to vector<1024x128xi32>
    %select_n3A_543 = arith.select %le3A_540, %select_n3A_532, %broadcast_in_dim3A_542 : vector<1024x128xi1>, vector<1024x128xi32>
    %min3A_544 = arith.minimumf %min3A_533, %add3A_539 : vector<1024x128xf32>
    %slice3A_545 = vector.extract_strided_slice %dot_general3A_9 {offsets = [0, 6272], sizes = [1024, 128], strides = [1, 1]} : vector<1024x8192xf32> to vector<1024x128xf32>
    %sub3A_546 = vector.broadcast %broadcast_in_dim3A : vector<1024x1xf32> to vector<1024x128xf32>
    %sub3A_547 = arith.subf %sub3A_546, %slice3A_545 : vector<1024x128xf32>
    %slice3A_548 = vector.extract_strided_slice %get3A_4 {offsets = [0, 6272], sizes = [1, 128], strides = [1, 1]} : vector<1x8192xf32> to vector<1x128xf32>
    %add3A_549 = vector.broadcast %slice3A_548 : vector<1x128xf32> to vector<1024x128xf32>
    %add3A_550 = arith.addf %sub3A_547, %add3A_549 : vector<1024x128xf32>
    %le3A_551 = arith.cmpf ole, %min3A_544, %add3A_550 : vector<1024x128xf32>
    %jit3A_552 = arith.constant 2176 : i32
    %broadcast_in_dim3A_553 = vector.broadcast %jit3A_552 : i32 to vector<1024x128xi32>
    %select_n3A_554 = arith.select %le3A_551, %select_n3A_543, %broadcast_in_dim3A_553 : vector<1024x128xi1>, vector<1024x128xi32>
    %min3A_555 = arith.minimumf %min3A_544, %add3A_550 : vector<1024x128xf32>
    %slice3A_556 = vector.extract_strided_slice %dot_general3A_9 {offsets = [0, 6400], sizes = [1024, 128], strides = [1, 1]} : vector<1024x8192xf32> to vector<1024x128xf32>
    %sub3A_557 = vector.broadcast %broadcast_in_dim3A : vector<1024x1xf32> to vector<1024x128xf32>
    %sub3A_558 = arith.subf %sub3A_557, %slice3A_556 : vector<1024x128xf32>
    %slice3A_559 = vector.extract_strided_slice %get3A_4 {offsets = [0, 6400], sizes = [1, 128], strides = [1, 1]} : vector<1x8192xf32> to vector<1x128xf32>
    %add3A_560 = vector.broadcast %slice3A_559 : vector<1x128xf32> to vector<1024x128xf32>
    %add3A_561 = arith.addf %sub3A_558, %add3A_560 : vector<1024x128xf32>
    %le3A_562 = arith.cmpf ole, %min3A_555, %add3A_561 : vector<1024x128xf32>
    %jit3A_563 = arith.constant 2304 : i32
    %broadcast_in_dim3A_564 = vector.broadcast %jit3A_563 : i32 to vector<1024x128xi32>
    %select_n3A_565 = arith.select %le3A_562, %select_n3A_554, %broadcast_in_dim3A_564 : vector<1024x128xi1>, vector<1024x128xi32>
    %min3A_566 = arith.minimumf %min3A_555, %add3A_561 : vector<1024x128xf32>
    %slice3A_567 = vector.extract_strided_slice %dot_general3A_9 {offsets = [0, 6528], sizes = [1024, 128], strides = [1, 1]} : vector<1024x8192xf32> to vector<1024x128xf32>
    %sub3A_568 = vector.broadcast %broadcast_in_dim3A : vector<1024x1xf32> to vector<1024x128xf32>
    %sub3A_569 = arith.subf %sub3A_568, %slice3A_567 : vector<1024x128xf32>
    %slice3A_570 = vector.extract_strided_slice %get3A_4 {offsets = [0, 6528], sizes = [1, 128], strides = [1, 1]} : vector<1x8192xf32> to vector<1x128xf32>
    %add3A_571 = vector.broadcast %slice3A_570 : vector<1x128xf32> to vector<1024x128xf32>
    %add3A_572 = arith.addf %sub3A_569, %add3A_571 : vector<1024x128xf32>
    %le3A_573 = arith.cmpf ole, %min3A_566, %add3A_572 : vector<1024x128xf32>
    %jit3A_574 = arith.constant 2432 : i32
    %broadcast_in_dim3A_575 = vector.broadcast %jit3A_574 : i32 to vector<1024x128xi32>
    %select_n3A_576 = arith.select %le3A_573, %select_n3A_565, %broadcast_in_dim3A_575 : vector<1024x128xi1>, vector<1024x128xi32>
    %min3A_577 = arith.minimumf %min3A_566, %add3A_572 : vector<1024x128xf32>
    %slice3A_578 = vector.extract_strided_slice %dot_general3A_9 {offsets = [0, 6656], sizes = [1024, 128], strides = [1, 1]} : vector<1024x8192xf32> to vector<1024x128xf32>
    %sub3A_579 = vector.broadcast %broadcast_in_dim3A : vector<1024x1xf32> to vector<1024x128xf32>
    %sub3A_580 = arith.subf %sub3A_579, %slice3A_578 : vector<1024x128xf32>
    %slice3A_581 = vector.extract_strided_slice %get3A_4 {offsets = [0, 6656], sizes = [1, 128], strides = [1, 1]} : vector<1x8192xf32> to vector<1x128xf32>
    %add3A_582 = vector.broadcast %slice3A_581 : vector<1x128xf32> to vector<1024x128xf32>
    %add3A_583 = arith.addf %sub3A_580, %add3A_582 : vector<1024x128xf32>
    %le3A_584 = arith.cmpf ole, %min3A_577, %add3A_583 : vector<1024x128xf32>
    %jit3A_585 = arith.constant 2560 : i32
    %broadcast_in_dim3A_586 = vector.broadcast %jit3A_585 : i32 to vector<1024x128xi32>
    %select_n3A_587 = arith.select %le3A_584, %select_n3A_576, %broadcast_in_dim3A_586 : vector<1024x128xi1>, vector<1024x128xi32>
    %min3A_588 = arith.minimumf %min3A_577, %add3A_583 : vector<1024x128xf32>
    %slice3A_589 = vector.extract_strided_slice %dot_general3A_9 {offsets = [0, 6784], sizes = [1024, 128], strides = [1, 1]} : vector<1024x8192xf32> to vector<1024x128xf32>
    %sub3A_590 = vector.broadcast %broadcast_in_dim3A : vector<1024x1xf32> to vector<1024x128xf32>
    %sub3A_591 = arith.subf %sub3A_590, %slice3A_589 : vector<1024x128xf32>
    %slice3A_592 = vector.extract_strided_slice %get3A_4 {offsets = [0, 6784], sizes = [1, 128], strides = [1, 1]} : vector<1x8192xf32> to vector<1x128xf32>
    %add3A_593 = vector.broadcast %slice3A_592 : vector<1x128xf32> to vector<1024x128xf32>
    %add3A_594 = arith.addf %sub3A_591, %add3A_593 : vector<1024x128xf32>
    %le3A_595 = arith.cmpf ole, %min3A_588, %add3A_594 : vector<1024x128xf32>
    %jit3A_596 = arith.constant 2688 : i32
    %broadcast_in_dim3A_597 = vector.broadcast %jit3A_596 : i32 to vector<1024x128xi32>
    %select_n3A_598 = arith.select %le3A_595, %select_n3A_587, %broadcast_in_dim3A_597 : vector<1024x128xi1>, vector<1024x128xi32>
    %min3A_599 = arith.minimumf %min3A_588, %add3A_594 : vector<1024x128xf32>
    %slice3A_600 = vector.extract_strided_slice %dot_general3A_9 {offsets = [0, 6912], sizes = [1024, 128], strides = [1, 1]} : vector<1024x8192xf32> to vector<1024x128xf32>
    %sub3A_601 = vector.broadcast %broadcast_in_dim3A : vector<1024x1xf32> to vector<1024x128xf32>
    %sub3A_602 = arith.subf %sub3A_601, %slice3A_600 : vector<1024x128xf32>
    %slice3A_603 = vector.extract_strided_slice %get3A_4 {offsets = [0, 6912], sizes = [1, 128], strides = [1, 1]} : vector<1x8192xf32> to vector<1x128xf32>
    %add3A_604 = vector.broadcast %slice3A_603 : vector<1x128xf32> to vector<1024x128xf32>
    %add3A_605 = arith.addf %sub3A_602, %add3A_604 : vector<1024x128xf32>
    %le3A_606 = arith.cmpf ole, %min3A_599, %add3A_605 : vector<1024x128xf32>
    %jit3A_607 = arith.constant 2816 : i32
    %broadcast_in_dim3A_608 = vector.broadcast %jit3A_607 : i32 to vector<1024x128xi32>
    %select_n3A_609 = arith.select %le3A_606, %select_n3A_598, %broadcast_in_dim3A_608 : vector<1024x128xi1>, vector<1024x128xi32>
    %min3A_610 = arith.minimumf %min3A_599, %add3A_605 : vector<1024x128xf32>
    %slice3A_611 = vector.extract_strided_slice %dot_general3A_9 {offsets = [0, 7040], sizes = [1024, 128], strides = [1, 1]} : vector<1024x8192xf32> to vector<1024x128xf32>
    %sub3A_612 = vector.broadcast %broadcast_in_dim3A : vector<1024x1xf32> to vector<1024x128xf32>
    %sub3A_613 = arith.subf %sub3A_612, %slice3A_611 : vector<1024x128xf32>
    %slice3A_614 = vector.extract_strided_slice %get3A_4 {offsets = [0, 7040], sizes = [1, 128], strides = [1, 1]} : vector<1x8192xf32> to vector<1x128xf32>
    %add3A_615 = vector.broadcast %slice3A_614 : vector<1x128xf32> to vector<1024x128xf32>
    %add3A_616 = arith.addf %sub3A_613, %add3A_615 : vector<1024x128xf32>
    %le3A_617 = arith.cmpf ole, %min3A_610, %add3A_616 : vector<1024x128xf32>
    %jit3A_618 = arith.constant 2944 : i32
    %broadcast_in_dim3A_619 = vector.broadcast %jit3A_618 : i32 to vector<1024x128xi32>
    %select_n3A_620 = arith.select %le3A_617, %select_n3A_609, %broadcast_in_dim3A_619 : vector<1024x128xi1>, vector<1024x128xi32>
    %min3A_621 = arith.minimumf %min3A_610, %add3A_616 : vector<1024x128xf32>
    %slice3A_622 = vector.extract_strided_slice %dot_general3A_9 {offsets = [0, 7168], sizes = [1024, 128], strides = [1, 1]} : vector<1024x8192xf32> to vector<1024x128xf32>
    %sub3A_623 = vector.broadcast %broadcast_in_dim3A : vector<1024x1xf32> to vector<1024x128xf32>
    %sub3A_624 = arith.subf %sub3A_623, %slice3A_622 : vector<1024x128xf32>
    %slice3A_625 = vector.extract_strided_slice %get3A_4 {offsets = [0, 7168], sizes = [1, 128], strides = [1, 1]} : vector<1x8192xf32> to vector<1x128xf32>
    %add3A_626 = vector.broadcast %slice3A_625 : vector<1x128xf32> to vector<1024x128xf32>
    %add3A_627 = arith.addf %sub3A_624, %add3A_626 : vector<1024x128xf32>
    %le3A_628 = arith.cmpf ole, %min3A_621, %add3A_627 : vector<1024x128xf32>
    %jit3A_629 = arith.constant 3072 : i32
    %broadcast_in_dim3A_630 = vector.broadcast %jit3A_629 : i32 to vector<1024x128xi32>
    %select_n3A_631 = arith.select %le3A_628, %select_n3A_620, %broadcast_in_dim3A_630 : vector<1024x128xi1>, vector<1024x128xi32>
    %min3A_632 = arith.minimumf %min3A_621, %add3A_627 : vector<1024x128xf32>
    %slice3A_633 = vector.extract_strided_slice %dot_general3A_9 {offsets = [0, 7296], sizes = [1024, 128], strides = [1, 1]} : vector<1024x8192xf32> to vector<1024x128xf32>
    %sub3A_634 = vector.broadcast %broadcast_in_dim3A : vector<1024x1xf32> to vector<1024x128xf32>
    %sub3A_635 = arith.subf %sub3A_634, %slice3A_633 : vector<1024x128xf32>
    %slice3A_636 = vector.extract_strided_slice %get3A_4 {offsets = [0, 7296], sizes = [1, 128], strides = [1, 1]} : vector<1x8192xf32> to vector<1x128xf32>
    %add3A_637 = vector.broadcast %slice3A_636 : vector<1x128xf32> to vector<1024x128xf32>
    %add3A_638 = arith.addf %sub3A_635, %add3A_637 : vector<1024x128xf32>
    %le3A_639 = arith.cmpf ole, %min3A_632, %add3A_638 : vector<1024x128xf32>
    %jit3A_640 = arith.constant 3200 : i32
    %broadcast_in_dim3A_641 = vector.broadcast %jit3A_640 : i32 to vector<1024x128xi32>
    %select_n3A_642 = arith.select %le3A_639, %select_n3A_631, %broadcast_in_dim3A_641 : vector<1024x128xi1>, vector<1024x128xi32>
    %min3A_643 = arith.minimumf %min3A_632, %add3A_638 : vector<1024x128xf32>
    %slice3A_644 = vector.extract_strided_slice %dot_general3A_9 {offsets = [0, 7424], sizes = [1024, 128], strides = [1, 1]} : vector<1024x8192xf32> to vector<1024x128xf32>
    %sub3A_645 = vector.broadcast %broadcast_in_dim3A : vector<1024x1xf32> to vector<1024x128xf32>
    %sub3A_646 = arith.subf %sub3A_645, %slice3A_644 : vector<1024x128xf32>
    %slice3A_647 = vector.extract_strided_slice %get3A_4 {offsets = [0, 7424], sizes = [1, 128], strides = [1, 1]} : vector<1x8192xf32> to vector<1x128xf32>
    %add3A_648 = vector.broadcast %slice3A_647 : vector<1x128xf32> to vector<1024x128xf32>
    %add3A_649 = arith.addf %sub3A_646, %add3A_648 : vector<1024x128xf32>
    %le3A_650 = arith.cmpf ole, %min3A_643, %add3A_649 : vector<1024x128xf32>
    %jit3A_651 = arith.constant 3328 : i32
    %broadcast_in_dim3A_652 = vector.broadcast %jit3A_651 : i32 to vector<1024x128xi32>
    %select_n3A_653 = arith.select %le3A_650, %select_n3A_642, %broadcast_in_dim3A_652 : vector<1024x128xi1>, vector<1024x128xi32>
    %min3A_654 = arith.minimumf %min3A_643, %add3A_649 : vector<1024x128xf32>
    %slice3A_655 = vector.extract_strided_slice %dot_general3A_9 {offsets = [0, 7552], sizes = [1024, 128], strides = [1, 1]} : vector<1024x8192xf32> to vector<1024x128xf32>
    %sub3A_656 = vector.broadcast %broadcast_in_dim3A : vector<1024x1xf32> to vector<1024x128xf32>
    %sub3A_657 = arith.subf %sub3A_656, %slice3A_655 : vector<1024x128xf32>
    %slice3A_658 = vector.extract_strided_slice %get3A_4 {offsets = [0, 7552], sizes = [1, 128], strides = [1, 1]} : vector<1x8192xf32> to vector<1x128xf32>
    %add3A_659 = vector.broadcast %slice3A_658 : vector<1x128xf32> to vector<1024x128xf32>
    %add3A_660 = arith.addf %sub3A_657, %add3A_659 : vector<1024x128xf32>
    %le3A_661 = arith.cmpf ole, %min3A_654, %add3A_660 : vector<1024x128xf32>
    %jit3A_662 = arith.constant 3456 : i32
    %broadcast_in_dim3A_663 = vector.broadcast %jit3A_662 : i32 to vector<1024x128xi32>
    %select_n3A_664 = arith.select %le3A_661, %select_n3A_653, %broadcast_in_dim3A_663 : vector<1024x128xi1>, vector<1024x128xi32>
    %min3A_665 = arith.minimumf %min3A_654, %add3A_660 : vector<1024x128xf32>
    %slice3A_666 = vector.extract_strided_slice %dot_general3A_9 {offsets = [0, 7680], sizes = [1024, 128], strides = [1, 1]} : vector<1024x8192xf32> to vector<1024x128xf32>
    %sub3A_667 = vector.broadcast %broadcast_in_dim3A : vector<1024x1xf32> to vector<1024x128xf32>
    %sub3A_668 = arith.subf %sub3A_667, %slice3A_666 : vector<1024x128xf32>
    %slice3A_669 = vector.extract_strided_slice %get3A_4 {offsets = [0, 7680], sizes = [1, 128], strides = [1, 1]} : vector<1x8192xf32> to vector<1x128xf32>
    %add3A_670 = vector.broadcast %slice3A_669 : vector<1x128xf32> to vector<1024x128xf32>
    %add3A_671 = arith.addf %sub3A_668, %add3A_670 : vector<1024x128xf32>
    %le3A_672 = arith.cmpf ole, %min3A_665, %add3A_671 : vector<1024x128xf32>
    %jit3A_673 = arith.constant 3584 : i32
    %broadcast_in_dim3A_674 = vector.broadcast %jit3A_673 : i32 to vector<1024x128xi32>
    %select_n3A_675 = arith.select %le3A_672, %select_n3A_664, %broadcast_in_dim3A_674 : vector<1024x128xi1>, vector<1024x128xi32>
    %min3A_676 = arith.minimumf %min3A_665, %add3A_671 : vector<1024x128xf32>
    %slice3A_677 = vector.extract_strided_slice %dot_general3A_9 {offsets = [0, 7808], sizes = [1024, 128], strides = [1, 1]} : vector<1024x8192xf32> to vector<1024x128xf32>
    %sub3A_678 = vector.broadcast %broadcast_in_dim3A : vector<1024x1xf32> to vector<1024x128xf32>
    %sub3A_679 = arith.subf %sub3A_678, %slice3A_677 : vector<1024x128xf32>
    %slice3A_680 = vector.extract_strided_slice %get3A_4 {offsets = [0, 7808], sizes = [1, 128], strides = [1, 1]} : vector<1x8192xf32> to vector<1x128xf32>
    %add3A_681 = vector.broadcast %slice3A_680 : vector<1x128xf32> to vector<1024x128xf32>
    %add3A_682 = arith.addf %sub3A_679, %add3A_681 : vector<1024x128xf32>
    %le3A_683 = arith.cmpf ole, %min3A_676, %add3A_682 : vector<1024x128xf32>
    %jit3A_684 = arith.constant 3712 : i32
    %broadcast_in_dim3A_685 = vector.broadcast %jit3A_684 : i32 to vector<1024x128xi32>
    %select_n3A_686 = arith.select %le3A_683, %select_n3A_675, %broadcast_in_dim3A_685 : vector<1024x128xi1>, vector<1024x128xi32>
    %min3A_687 = arith.minimumf %min3A_676, %add3A_682 : vector<1024x128xf32>
    %slice3A_688 = vector.extract_strided_slice %dot_general3A_9 {offsets = [0, 7936], sizes = [1024, 128], strides = [1, 1]} : vector<1024x8192xf32> to vector<1024x128xf32>
    %sub3A_689 = vector.broadcast %broadcast_in_dim3A : vector<1024x1xf32> to vector<1024x128xf32>
    %sub3A_690 = arith.subf %sub3A_689, %slice3A_688 : vector<1024x128xf32>
    %slice3A_691 = vector.extract_strided_slice %get3A_4 {offsets = [0, 7936], sizes = [1, 128], strides = [1, 1]} : vector<1x8192xf32> to vector<1x128xf32>
    %add3A_692 = vector.broadcast %slice3A_691 : vector<1x128xf32> to vector<1024x128xf32>
    %add3A_693 = arith.addf %sub3A_690, %add3A_692 : vector<1024x128xf32>
    %le3A_694 = arith.cmpf ole, %min3A_687, %add3A_693 : vector<1024x128xf32>
    %jit3A_695 = arith.constant 3840 : i32
    %broadcast_in_dim3A_696 = vector.broadcast %jit3A_695 : i32 to vector<1024x128xi32>
    %select_n3A_697 = arith.select %le3A_694, %select_n3A_686, %broadcast_in_dim3A_696 : vector<1024x128xi1>, vector<1024x128xi32>
    %min3A_698 = arith.minimumf %min3A_687, %add3A_693 : vector<1024x128xf32>
    %slice3A_699 = vector.extract_strided_slice %dot_general3A_9 {offsets = [0, 8064], sizes = [1024, 128], strides = [1, 1]} : vector<1024x8192xf32> to vector<1024x128xf32>
    %sub3A_700 = vector.broadcast %broadcast_in_dim3A : vector<1024x1xf32> to vector<1024x128xf32>
    %sub3A_701 = arith.subf %sub3A_700, %slice3A_699 : vector<1024x128xf32>
    %slice3A_702 = vector.extract_strided_slice %get3A_4 {offsets = [0, 8064], sizes = [1, 128], strides = [1, 1]} : vector<1x8192xf32> to vector<1x128xf32>
    %add3A_703 = vector.broadcast %slice3A_702 : vector<1x128xf32> to vector<1024x128xf32>
    %add3A_704 = arith.addf %sub3A_701, %add3A_703 : vector<1024x128xf32>
    %le3A_705 = arith.cmpf ole, %min3A_698, %add3A_704 : vector<1024x128xf32>
    %jit3A_706 = arith.constant 3968 : i32
    %broadcast_in_dim3A_707 = vector.broadcast %jit3A_706 : i32 to vector<1024x128xi32>
    %select_n3A_708 = arith.select %le3A_705, %select_n3A_697, %broadcast_in_dim3A_707 : vector<1024x128xi1>, vector<1024x128xi32>
    %min3A_709 = arith.minimumf %min3A_698, %add3A_704 : vector<1024x128xf32>
    %reduce_min3A_710 = arith.constant dense<0x7F800000> : vector<1024xf32>
    %reduce_min3A_711 = vector.multi_reduction <minimumf>, %min3A_709, %reduce_min3A_710 [1] : vector<1024x128xf32> to vector<1024xf32>
    %iota3A_712 = tpu.iota {dimensions = array<i32: 1>} : vector<1024x128xi32>
    %broadcast_in_dim3A_713 = vector.shape_cast %reduce_min3A_711 : vector<1024xf32> to vector<1024x1xf32>
    %eq3A_714 = vector.broadcast %broadcast_in_dim3A_713 : vector<1024x1xf32> to vector<1024x128xf32>
    %eq3A_715 = arith.cmpf oeq, %min3A_709, %eq3A_714 : vector<1024x128xf32>
    %add3A_716 = arith.addi %select_n3A_708, %iota3A_712 : vector<1024x128xi32>
    %jit3A_717 = arith.constant 8192 : i32
    %broadcast_in_dim3A_718 = vector.broadcast %jit3A_717 : i32 to vector<1024x128xi32>
    %select_n3A_719 = arith.select %eq3A_715, %add3A_716, %broadcast_in_dim3A_718 : vector<1024x128xi1>, vector<1024x128xi32>
    %reduce_min3A_720 = arith.constant dense<2147483647> : vector<1024xi32>
    %reduce_min3A_721 = vector.multi_reduction <minsi>, %select_n3A_719, %reduce_min3A_720 [1] : vector<1024x128xi32> to vector<1024xi32>
    %convert_element_type3A = arith.truncf %reduce_min3A_352 : vector<1024xf32> to vector<1024xbf16>
    %convert_element_type3A_722 = arith.extf %convert_element_type3A : vector<1024xbf16> to vector<1024xf32>
    %lt3A = arith.cmpf olt, %reduce_min3A_711, %convert_element_type3A_722 : vector<1024xf32>
    %add3A_723 = arith.constant 4096 : i32
    %add3A_724 = vector.broadcast %add3A_723 : i32 to vector<1024xi32>
    %add3A_725 = arith.addi %reduce_min3A_721, %add3A_724 : vector<1024xi32>
    %select_n3A_726 = arith.select %lt3A, %add3A_725, %reduce_min3A_360 : vector<1024xi1>, vector<1024xi32>
    %swap3A = arith.constant 0 : index
    %swap3A_727 = vector.load %arg4[%swap3A] : memref<1024xi32, #tpu.memory_space<vmem>>, vector<1024xi32>
    tpu.vector_store %arg4[%swap3A], %select_n3A_726 {strides = array<i32>} : memref<1024xi32, #tpu.memory_space<vmem>>, vector<1024xi32>,
    %select_n3A_728 = arith.select %lt3A, %reduce_min3A_711, %reduce_min3A_352 : vector<1024xi1>, vector<1024xf32>
    %reduce_sum3A_729 = vector.shape_cast %select_n3A_728 : vector<1024xf32> to vector<1x1024xf32>
    %reduce_sum3A_730 = arith.constant dense<0.000000e+00> : vector<1xf32>
    %reduce_sum3A_731 = vector.multi_reduction <add>, %reduce_sum3A_729, %reduce_sum3A_730 [1] : vector<1x1024xf32> to vector<1xf32>
    %reduce_sum3A_732 = vector.shape_cast %reduce_sum3A_731 : vector<1xf32> to vector<1x1xf32>
    %reduce_sum3A_733 = vector.extract %reduce_sum3A_732[0, 0] : f32 from vector<1x1xf32>
    %add3A_734 = arith.constant 0.000000e+00 : f32
    %add3A_735 = arith.addf %add3A_734, %reduce_sum3A_733 : f32
    %reshape3A = vector.broadcast %add3A_735 : f32 to vector<1x1xf32>
    %broadcast_in_dim3A_736 = vector.shape_cast %reshape3A : vector<1x1xf32> to vector<1x1xf32>
    %broadcast_in_dim3A_737 = vector.broadcast %broadcast_in_dim3A_736 : vector<1x1xf32> to vector<8x128xf32>
    %swap3A_738 = arith.constant 0 : index
    %swap3A_739 = arith.constant 0 : index
    %swap3A_740 = vector.load %arg5[%swap3A_738, %swap3A_739] : memref<8x128xf32, #tpu.memory_space<vmem>>, vector<8x128xf32>
    tpu.vector_store %arg5[%swap3A_738, %swap3A_739], %broadcast_in_dim3A_737 {strides = array<i32>} : memref<8x128xf32, #tpu.memory_space<vmem>>, vector<8x128xf32>,
    return
  }
  func.func @transform_0(%arg0: i32) -> (i32, i32) {
    %c0_i32 = arith.constant 0 : i32
    %c0_i32_0 = arith.constant 0 : i32
    return %arg0, %c0_i32 : i32, i32
  }
  func.func @transform_1(%arg0: i32) -> (i32, i32) {
    %c0_i32 = arith.constant 0 : i32
    %c0_i32_0 = arith.constant 0 : i32
    %c0_i32_1 = arith.constant 0 : i32
    return %c0_i32, %c0_i32_0 : i32, i32
  }
  func.func @transform_2(%arg0: i32) -> (i32, i32) {
    %c0_i32 = arith.constant 0 : i32
    %c0_i32_0 = arith.constant 0 : i32
    %c0_i32_1 = arith.constant 0 : i32
    return %c0_i32, %c0_i32_0 : i32, i32
  }
  func.func @transform_3(%arg0: i32) -> i32 {
    %c0_i32 = arith.constant 0 : i32
    return %arg0 : i32
  }
  func.func @transform_4(%arg0: i32) -> (i32, i32) {
    %c0_i32 = arith.constant 0 : i32
    %c0_i32_0 = arith.constant 0 : i32
    return %arg0, %c0_i32 : i32, i32
  }
}

</mosaic_0001>

<sc_bundles>
// kernel: kernel.4.cloned.1.call-start
scs
__scs_entry_jumppad:
0x0: {  	(pc) =	sbr.rel $0x88, $3  }
0x1: {  	(tag) =	ssettag $0x0;
	lr =	simm.s32 $0x1  }
0x2: {  	[smem:$0x3F9F] =	sst lr;
	_ =	strace $0xD0000000  }
0x3: {  	_ = 	snop  }
0x4: {  	_ = 	snop  }
0x5: {  	_ = 	snop  }
0x6: {  	_ = 	snop  }
0x7: {  	_ = 	snop  }
__scs_overlays_trampoline_lowered:
0x8: {  	[smem:$0x3FAE] =	sst s0  }
0x9: {  	[smem:$0x3FAF] =	sst s1  }
0xa: {  	[smem:$0x3FB0] =	sst s2  }
0xb: {  	[smem:$0x3FB1] =	sst s3  }
0xc: {  	[smem:$0x3FB2] =	sst s4  }
0xd: {  	[smem:$0x3FB3] =	sst s5  }
0xe: {  	[smem:$0x3FB4] =	sst s6  }
0xf: {  	[smem:$0x3FB5] =	sst s7  }
0x10: {  	[smem:$0x3FB6] =	sst s8  }
0x11: {  	[smem:$0x3FB7] =	sst s9;
	s0 =	simm.s32 @!p0 $0x0  }
0x12: {  	s1 =	sld [smem:$0x3F9D];
	s0 =	simm.s32 @p0 $0x1  }
0x13: {  	[smem:$0x3FB8] =	sst s0;
	s0 =	simm.s32 @!p1 $0x0  }
0x14: {  	s2 =	sld [smem:$0x3F9C];
	s0 =	simm.s32 @p1 $0x1  }
0x15: {  	[smem:$0x3FB9] =	sst s0;
	s0 =	simm.s32 @!p2 $0x0  }
0x16: {  	s3 =	sld [smem:$0x3FDB];
	s0 =	simm.s32 @p2 $0x1  }
0x17: {  	s4 =	simm.s32 $0x1BF5;
	[smem:$0x3FBB] =	sst s0  }
0x18: {  	s0 =	sld [smem:$0x3F9E];
	_ =	swait.ge [sflag:s4], $0x0  }
0x19: {  	s7 =	sld [smem:$0x3F9F]  }
0x1a: {  	s8 =	sadd.s32 $0xFFFFE003, lr  }
0x1b: {  	s9 =	sadd.s32 $0xFFFFFEF7, lr;
	s5 =	simm.s32 $0xFFFFFFFF;
	p2 =	slt.u32 s8, $0xFFFFF086  }
0x1c: {  	p1 =	slt.u32 s9, $0xF7A;
	s5 =	simm.s32 @!p2 $0x0  }
0x1d: {  	s5 =	simm.s32 @p1 $0x1;
	p0 =	seq.s32 s7, s2  }
0x1e: {  	s7 =	smul.u32 @!p0 $0xF7A, s2;
	p2 =	seq.s32 @!p0 s5, $0x0  }
0x1f: {  	s9 =	smul.u32 $0xF7A, s1;
	s8 =	simm.s32 @!p0 $0x1BF5;
	p2 =	por !p2, p0  }
0x20: {  	[sflag:s8] =	ssyncset.s32 @!p0 $0xFFFFF086;
	s6 =	sadd.s32 @!p0 s3, s7;
	s7 =	simm.s32 @!p0 $0x108  }
0x21: {  	s3 =	sadd.s32 s3, s9;
	s6 =	sadd.s32 @!p0 $0x88, s6;
	s7 =	simm.s32 @p2 $0x1082  }
0x22: {  	[simem:s7], [sflag:s8] =	dma.local @!p0 [hbm:s6], $0xF7A  }
0x23: {  	s9 =	sor.u32 $0xD0000000, s2;
	s6 =	simm.s32 $0x108;
	_ =	swait.ge @!p0 [sflag:s8], $0x0  }
0x24: {  	s3 =	sadd.s32 $0x88, s3;
	s6 =	simm.s32 @!p1 $0x1082;
	[sflag:s4] =	ssyncset.s32 $0xFFFFF086  }
0x25: {  	[simem:s6], [sflag:s4] =	dma.local [hbm:s3], $0xF7A  }
0x26: {  	[smem:$0x3F9F] =	sst s1;
	(tag) =	ssettag s2;
	_ =	strace s9  }
0x27: {  	s1 =	sld [smem:$0x3FAF]  }
0x28: {  	s2 =	sld [smem:$0x3FB0]  }
0x29: {  	s4 =	sld [smem:$0x3FB2]  }
0x2a: {  	p0 =	seq.s32 s5, $0x0;
	s5 =	sld [smem:$0x3FB3]  }
0x2b: {  	s6 =	sld [smem:$0x3FB4]  }
0x2c: {  	s7 =	sld [smem:$0x3FB5]  }
0x2d: {  	s3 =	simm.s32 $0x108;
	s8 =	sld [smem:$0x3FB6]  }
0x2e: {  	s3 =	simm.s32 @!p0 $0x1082;
	s9 =	sld [smem:$0x3FB7]  }
0x2f: {  	lr =	sadd.s32 s0, s3;
	s0 =	sld [smem:$0x3FAE]  }
0x30: {  	s3 =	sld [smem:$0x3FB1]  }
0x31: {  	[smem:$0x3FBA] =	sst s10  }
0x32: {  	s10 =	sld [smem:$0x3FB8];
	_ =	sdelay $0x3  }
0x33: {  	p0 =	seq.s32 s10, $0x1;
	s10 =	sld [smem:$0x3FBA];
	_ =	sdelay $0x3  }
0x34: {  	[smem:$0x3FBA] =	sst s10  }
0x35: {  	s10 =	sld [smem:$0x3FB9];
	_ =	sdelay $0x3  }
0x36: {  	p1 =	seq.s32 s10, $0x1;
	s10 =	sld [smem:$0x3FBA];
	_ =	sdelay $0x3  }
0x37: {  	[smem:$0x3FBA] =	sst s10  }
0x38: {  	s10 =	sld [smem:$0x3FBB]  }
0x39: {  	_ = 	snop;
	(pc) =	sbr.ind lr, $3  }
0x3a: {  	_ = 	snop  }
0x3b: {  	_ = 	snop  }
0x3c: {  	p2 =	seq.s32 s10, $0x1;
	s10 =	sld [smem:$0x3FBA]  }
0x3d: {  	_ =	shalt  }
0x3e: {  	_ =	shalt  }
0x3f: {  	_ =	shalt  }
0x40: {  	_ =	shalt  }
0x41: {  	_ =	shalt  }
0x42: {  	_ =	shalt  }
0x43: {  	_ =	shalt  }
0x44: {  	_ =	shalt  }
0x45: {  	_ =	shalt  }
0x46: {  	_ =	shalt  }
0x47: {  	_ =	shalt  }
0x48: {  	_ =	shalt  }
0x49: {  	_ =	shalt  }
0x4a: {  	_ =	shalt  }
0x4b: {  	_ =	shalt  }
0x4c: {  	_ =	shalt  }
0x4d: {  	_ =	shalt  }
0x4e: {  	_ =	shalt  }
0x4f: {  	_ =	shalt  }
0x50: {  	_ =	shalt  }
0x51: {  	_ =	shalt  }
0x52: {  	_ =	shalt  }
0x53: {  	_ =	shalt  }
0x54: {  	_ =	shalt  }
0x55: {  	_ =	shalt  }
0x56: {  	_ =	shalt  }
0x57: {  	_ =	shalt  }
0x58: {  	_ =	shalt  }
0x59: {  	_ =	shalt  }
0x5a: {  	_ =	shalt  }
0x5b: {  	_ =	shalt  }
0x5c: {  	_ =	shalt  }
0x5d: {  	_ =	shalt  }
0x5e: {  	_ =	shalt  }
0x5f: {  	_ =	shalt  }
0x60: {  	_ =	shalt  }
0x61: {  	_ =	shalt  }
0x62: {  	_ =	shalt  }
0x63: {  	_ =	shalt  }
0x64: {  	_ =	shalt  }
0x65: {  	_ =	shalt  }
0x66: {  	_ =	shalt  }
0x67: {  	_ =	shalt  }
0x68: {  	_ =	shalt  }
0x69: {  	_ =	shalt  }
0x6a: {  	_ =	shalt  }
0x6b: {  	_ =	shalt  }
0x6c: {  	_ =	shalt  }
0x6d: {  	_ =	shalt  }
0x6e: {  	_ =	shalt  }
0x6f: {  	_ =	shalt  }
0x70: {  	_ =	shalt  }
0x71: {  	_ =	shalt  }
0x72: {  	_ =	shalt  }
0x73: {  	_ =	shalt  }
0x74: {  	_ =	shalt  }
0x75: {  	_ =	shalt  }
0x76: {  	_ =	shalt  }
0x77: {  	_ =	shalt  }
0x78: {  	_ =	shalt  }
0x79: {  	_ =	shalt  }
0x7a: {  	_ =	shalt  }
0x7b: {  	_ =	shalt  }
0x7c: {  	_ =	shalt  }
0x7d: {  	_ =	shalt  }
0x7e: {  	_ =	shalt  }
0x7f: {  	_ =	shalt  }
0x80: {  	_ =	shalt  }
0x81: {  	_ =	shalt  }
0x82: {  	_ =	shalt  }
0x83: {  	_ =	shalt  }
0x84: {  	_ =	shalt  }
0x85: {  	_ =	shalt  }
0x86: {  	_ =	shalt  }
0x87: {  	_ =	shalt  }
.Lfunc_end0:
.L_simem_size_0:
called_computation_lowered:
.L_overlay_start_0:
0x88: {  	s2 =	sld [smem:$0x3FD9]  }
0x89: {  	s3 =	sld [smem:$0x3FFE];
	_ =	sdelay $0x1  }
0x8a: {  	s1 =	srdreg.scid  }
0x8b: {  	s0 =	sand.u32 $0x1, s1  }
0x8c: {  	s14 =	sshll.u32 s0, $0xA;
	s2 =	sadd.s32 s3, s2  }
0x8d: {  	s2 =	sadd.s32 s2, s14  }
0x8e: {  	[smem:$0x3FC6] =	sst s2  }
0x8f: {  	_ = 	snop  }
0x90: {  	s2 =	sld [smem:$0x3FD0];
	_ =	sdelay $0x2  }
0x91: {  	s15 =	simm.s32 $0xA;
	s4 =	simm.s32 $0x10  }
0x92: {  	[smem:s4], [sflag:s15] =	dma.local [hbm:s2], $0x1  }
0x93: {  	_ =	swait.eq [sflag:s15], $0x1  }
0x94: {  	[sflag:s15] =	ssyncset.done $0x0  }
0x95: {  	[sflag:s15] =	ssyncadd.s32 $0xFFFFFFFF  }
0x96: {  	s16 =	sld [smem:$0x10];
	(tm) =	ssettm $0x1  }
0x97: {  	s17 =	sld [smem:$0x3FFB];
	_ =	sdelay $0x3  }
0x98: {  	_ =	strace s17  }
0x99: {  	s3 =	sld [smem:$0x3FFC];
	_ =	sdelay $0x3  }
0x9a: {  	_ =	strace s3  }
0x9b: {  	s3 =	sld [smem:$0x3FFD];
	_ =	sdelay $0x3  }
0x9c: {  	_ =	strace s3  }
0x9d: {  	_ =	strace $0x8FFFFFFF  }
0x9e: {  	s18 =	sld [smem:$0x3FDB];
	_ =	sdelay $0x1  }
0x9f: {  	s19 =	simm.s32 $_scs_section_size  }
0xa0: {  	s5 =	simm.s32 $_size__tile_overlayer_lowered;
	s6 =	simm.s32 $_tile_overlayer_lowered  }
0xa1: {  	s22 =	simm.s32 $0x1BFF;
	s21 =	sshll.u32 s6, $0x1;
	s3 =	sadd.s32 s19, s18  }
0xa2: {  	s7 =	simm.s32 $0x0;
	s20 =	sshll.u32 s5, $0x1;
	s5 =	sadd.s32 s21, s3  }
0xa3: {  	[timem:s7], [sflag:s22] =	dma.local [hbm:s5], s20  }
0xa4: {  	_ =	swait.ge [sflag:s22], s20  }
0xa5: {  	s4 =	ssub.s32 $0x0, s20;
	[sflag:s22] =	ssyncset.done $0x0  }
0xa6: {  	[sflag:s22] =	ssyncadd.s32 s4;
	_ =	sdelay $0x1  }
0xa7: {  	s23 =	simm.s32 $0x1B8B  }
0xa8: {  	_ =	swait.ge [sflag:s23], $0x1  }
0xa9: {  	[sflag:s23] =	ssyncset.done $0x0  }
0xaa: {  	s25 =	simm.s32 $0x1B8E;
	s24 =	sld [smem:$0x3FFE];
	[sflag:s23] =	ssyncadd.s32 $0xFFFFFFFF  }
0xab: {  	s26 =	simm.s32 $execute0_lowered;
	[smem:$0x3FD2] =	sst s25  }
0xac: {  	s5 =	sshll.u32 s26, $0x1;
	_ =	strace $0x80000046;
	[dreg:$0x1] =	wrdreg $0xFFFFFFFF  }
0xad: {  	s28 =	simm.s32 $_size_execute0_lowered;
	s3 =	sadd.s32 s3, s5;
	[dreg:$0x0] =	wrdreg $0x0  }
0xae: {  	s5 =	sshll.u32 s28, $0x1;
	[dreg:$0x2] =	wrdreg s3  }
0xaf: {  	[dreg:$0x3] =	wrdreg s5  }
0xb0: {  	[dreg:$0x4] =	wrdreg $0xC0  }
0xb1: {  	_ =	task [dreg:s7], $0x5FFFF  }
0xb2: {  	[dreg:$0x1] =	wrdreg $0xFFFFFFFF  }
0xb3: {  	[dreg:$0x0] =	wrdreg $0x60  }
0xb4: {  	[dreg:$0x2] =	wrdreg s24  }
0xb5: {  	[dreg:$0x3] =	wrdreg s16  }
0xb6: {  	[dreg:$0x4] =	wrdreg $0x9  }
0xb7: {  	_ =	task.clear_ibuf [dreg:s7], $0x5FFFF;
	_ =	strace $0x90000046  }
0xb8: {  	s29 =	simm.s32 $0x9;
	_ =	strace $0x80000048  }
0xb9: {  	_ =	swait.ge [sflag:s29], $0x1  }
0xba: {  	[sflag:s29] =	ssyncadd.s32 $0xFFFFFFFF  }
0xbb: {  	_ =	strace $0x90000048  }
0xbc: {  	_ =	sfence  }
0xbd: {  	s30 =	sld [smem:$0x0];
	_ =	sdelay $0x2  }
0xbe: {  	s31 =	sshll.u32 s1, $0xD;
	s1 =	sshrl.u32 s1, $0x2  }
0xbf: {  	s3 =	sand.u32 $0x4000, s31;
	s1 =	sadd.s32 s1, s30  }
0xc0: {  	s0 =	sor.u32 s3, s0;
	s1 =	sshll.u32 s1, $0x11  }
0xc1: {  	s0 =	sor.u32 s1, s0  }
0xc2: {  	s0 =	sadd.s32 $0x8F2B, s0  }
0xc3: {  	[sflag:s0] =	ssyncadd.remote.s32 $0x1  }
0xc4: {  	_ =	sfence.sel $0xFFFF  }
0xc5: {  	[dreg:$0x0] =	wrdreg $0xFFFFFFFF;
	(pc) =	sbr.abs _section_cstart, $3  }
0xc6: {  	[dreg:$0x1] =	wrdreg $0xFFFFFFFF  }
0xc7: {  	_ =	task.clear_ibuf [dreg:s7], $0x2FFFF;
	_ =	strace $0x9FFFFFFF  }
0xc8: {  	(tm) =	ssettm $0x7FFFFFFF  }
0xc9: {  	_ =	shalt  }
tec
execute0_lowered:
.L_overlay_start_1:
0x0: {  	(tag) =	ssettag $0x1  }
0x1: {  	s1 =	srdreg.scid;
	s0 =	stileid.u32  }
0x2: {  	s5 =	rddreg [dreg:$0x0];
	s24 =	sand.u32 $0x1, s1;
	s30 =	sshll.u32 s0, $0x1  }
0x3: {  	s22 =	rddreg [dreg:$0x1];
	s23 =	sor.u32 s24, s30  }
0x4: {  	s2 =	simm.s32 $0x0;
	s1 =	rddreg [dreg:$0x2];
	s3 =	sshll.u32 s23, $0x7  }
0x5: {  	[smem:$0x7FF] =	sst s2;
	s3 =	sadd.s32 s3, s5  }
0x6: {  	_ =	strace $0x80000047;
	s4 =	sadd.s32 $0x8A00, s3;
	s3 =	simm.s32 $0x2  }
0x7: {  	[tilespmem:s2], [sflag:$0x2] =	stream.linear.gather [hbm4b:s4+s2], $0x400, $0x38;
	[tilespmem:$0x8400] =	vst v63  }
0x8: {  	_ =	swait.ge [sflag:s3], $0x400  }
0x9: {  	s6 =	simm.s32 $0x80;
	[sflag:s3] =	ssyncset.done $0x0  }
0xa: {  	s7 =	simm.s32 $0x400;
	s5 =	sadd.s32 $0xA00, s5;
	[sflag:s3] =	ssyncadd.s32 $0xFFFFFC00  }
0xb: {  	[tilespmem:s7], [sflag:$0x1] =	stream.indirect.gather [hbm4b:s5+s6], $0x20, s2, s6, $0xb8;
	[tilespmem:$0x8400] =	vst v63  }
0xc: {  	s8 =	simm.s32 $0x1400  }
0xd: {  	[tilespmem:s8], [sflag:$0x1] =	stream.indirect.gather [hbm4b:s5+s6], $0x20, s6, s6, $0xb8;
	[tilespmem:$0x8400] =	vst v63  }
0xe: {  	s9 =	simm.s32 $0x100;
	s10 =	simm.s32 $0x2400  }
0xf: {  	[tilespmem:s10], [sflag:$0x1] =	stream.indirect.gather [hbm4b:s5+s6], $0x20, s9, s6, $0xb8;
	[tilespmem:$0x8400] =	vst v63  }
0x10: {  	s11 =	simm.s32 $0x180;
	s12 =	simm.s32 $0x3400  }
0x11: {  	[tilespmem:s12], [sflag:$0x1] =	stream.indirect.gather [hbm4b:s5+s6], $0x20, s11, s6, $0xb8;
	[tilespmem:$0x8400] =	vst v63  }
0x12: {  	s13 =	simm.s32 $0x200;
	s14 =	simm.s32 $0x4400  }
0x13: {  	[tilespmem:s14], [sflag:$0x1] =	stream.indirect.gather [hbm4b:s5+s6], $0x20, s13, s6, $0xb8;
	[tilespmem:$0x8400] =	vst v63  }
0x14: {  	s15 =	simm.s32 $0x280;
	s16 =	simm.s32 $0x5400  }
0x15: {  	[tilespmem:s16], [sflag:$0x1] =	stream.indirect.gather [hbm4b:s5+s6], $0x20, s15, s6, $0xb8;
	[tilespmem:$0x8400] =	vst v63  }
0x16: {  	s17 =	simm.s32 $0x300;
	s18 =	simm.s32 $0x6400  }
0x17: {  	[tilespmem:s18], [sflag:$0x1] =	stream.indirect.gather [hbm4b:s5+s6], $0x20, s17, s6, $0xb8;
	[tilespmem:$0x8400] =	vst v63  }
0x18: {  	s19 =	simm.s32 $0x380;
	s20 =	simm.s32 $0x7400;
	s21 =	simm.s32 $0x1  }
0x19: {  	[tilespmem:s20], [sflag:$0x1] =	stream.indirect.gather [hbm4b:s5+s6], $0x20, s19, s6, $0xb8;
	[tilespmem:$0x8400] =	vst v63  }
0x1a: {  	_ =	swait.ge [sflag:s21], $0x1000  }
0x1b: {  	[sflag:s21] =	ssyncset.done $0x0  }
0x1c: {  	[sflag:s21] =	ssyncadd.s32 $0xFFFFF000  }
0x1d: {  	_ =	swait.ge [sflag:s21], $0x1000  }
0x1e: {  	[sflag:s21] =	ssyncset.done $0x0  }
0x1f: {  	[sflag:s21] =	ssyncadd.s32 $0xFFFFF000  }
0x20: {  	_ =	swait.ge [sflag:s21], $0x1000  }
0x21: {  	[sflag:s21] =	ssyncset.done $0x0  }
0x22: {  	[sflag:s21] =	ssyncadd.s32 $0xFFFFF000  }
0x23: {  	_ =	swait.ge [sflag:s21], $0x1000  }
0x24: {  	[sflag:s21] =	ssyncset.done $0x0  }
0x25: {  	[sflag:s21] =	ssyncadd.s32 $0xFFFFF000  }
0x26: {  	_ =	swait.ge [sflag:s21], $0x1000  }
0x27: {  	[sflag:s21] =	ssyncset.done $0x0  }
0x28: {  	[sflag:s21] =	ssyncadd.s32 $0xFFFFF000  }
0x29: {  	_ =	swait.ge [sflag:s21], $0x1000  }
0x2a: {  	[sflag:s21] =	ssyncset.done $0x0  }
0x2b: {  	s24 =	ssub.s32 $0x2, s24;
	[sflag:s21] =	ssyncadd.s32 $0xFFFFF000  }
0x2c: {  	s25 =	sshrl.u32 s24, $0x1;
	_ =	swait.ge [sflag:s21], $0x1000  }
0x2d: {  	s24 =	ssub.s32 s24, s25;
	[sflag:s21] =	ssyncset.done $0x0  }
0x2e: {  	s31 =	smax.u32 s24, $0x1;
	[sflag:s21] =	ssyncadd.s32 $0xFFFFF000  }
0x2f: {  	p0 =	sne.s32 s31, $0x1;
	_ =	swait.ge [sflag:s21], $0x1000  }
.Ltmp0:
0x30: {  	s23 =	sshll.u32 s23, $0xC;
	[sflag:s21] =	ssyncset.done $0x0;
	(pc) =	sbr.rel @!p0 .LBB2_2-.Ltmp0, $4  }
0x31: {  	s22 =	sadd.s32 s22, s23;
	[sflag:s21] =	ssyncadd.s32 $0xFFFFF000  }
0x32: {  	[hbm4b:s22+s2] =	stream.linear.scatter [tilespmem:s7], [sflag:$0x2], $0x8000, $0x38;
	[tilespmem:$0x8400] =	vst v63  }
0x33: {  	_ =	swait.ge [sflag:s3], $0x8000  }
0x34: {  	s23 =	sadd.s32 $0xFFFFFFFF, s31;
	[sflag:s3] =	ssyncset.done $0x0  }
.LBB2_1:
0x35: {  	p0 =	sne.s32 s23, $0x1;
	s23 =	sadd.s32 $0xFFFFFFFF, s23;
	[sflag:s3] =	ssyncadd.s32 $0xFFFF8000  }
0x36: {  	[tilespmem:s2], [sflag:$0x2] =	stream.linear.gather [hbm4b:s4+s2], $0x400, $0x38;
	[tilespmem:$0x8400] =	vst v63  }
0x37: {  	_ =	swait.ge [sflag:s3], $0x400  }
0x38: {  	[sflag:s3] =	ssyncset.done $0x0  }
0x39: {  	[sflag:s3] =	ssyncadd.s32 $0xFFFFFC00  }
0x3a: {  	[tilespmem:s7], [sflag:$0x1] =	stream.indirect.gather [hbm4b:s5+s6], $0x20, s2, s6, $0xb8;
	[tilespmem:$0x8400] =	vst v63  }
0x3b: {  	_ = 	snop  }
0x3c: {  	[tilespmem:s8], [sflag:$0x1] =	stream.indirect.gather [hbm4b:s5+s6], $0x20, s6, s6, $0xb8;
	[tilespmem:$0x8400] =	vst v63  }
0x3d: {  	_ = 	snop  }
0x3e: {  	[tilespmem:s10], [sflag:$0x1] =	stream.indirect.gather [hbm4b:s5+s6], $0x20, s9, s6, $0xb8;
	[tilespmem:$0x8400] =	vst v63  }
0x3f: {  	_ = 	snop  }
0x40: {  	[tilespmem:s12], [sflag:$0x1] =	stream.indirect.gather [hbm4b:s5+s6], $0x20, s11, s6, $0xb8;
	[tilespmem:$0x8400] =	vst v63  }
0x41: {  	_ = 	snop  }
0x42: {  	[tilespmem:s14], [sflag:$0x1] =	stream.indirect.gather [hbm4b:s5+s6], $0x20, s13, s6, $0xb8;
	[tilespmem:$0x8400] =	vst v63  }
0x43: {  	_ = 	snop  }
0x44: {  	[tilespmem:s16], [sflag:$0x1] =	stream.indirect.gather [hbm4b:s5+s6], $0x20, s15, s6, $0xb8;
	[tilespmem:$0x8400] =	vst v63  }
0x45: {  	_ = 	snop  }
0x46: {  	[tilespmem:s18], [sflag:$0x1] =	stream.indirect.gather [hbm4b:s5+s6], $0x20, s17, s6, $0xb8;
	[tilespmem:$0x8400] =	vst v63  }
0x47: {  	_ = 	snop  }
0x48: {  	[tilespmem:s20], [sflag:$0x1] =	stream.indirect.gather [hbm4b:s5+s6], $0x20, s19, s6, $0xb8;
	[tilespmem:$0x8400] =	vst v63  }
0x49: {  	_ =	swait.ge [sflag:s21], $0x1000  }
0x4a: {  	[sflag:s21] =	ssyncset.done $0x0  }
0x4b: {  	[sflag:s21] =	ssyncadd.s32 $0xFFFFF000  }
0x4c: {  	_ =	swait.ge [sflag:s21], $0x1000  }
0x4d: {  	[sflag:s21] =	ssyncset.done $0x0  }
0x4e: {  	[sflag:s21] =	ssyncadd.s32 $0xFFFFF000  }
0x4f: {  	_ =	swait.ge [sflag:s21], $0x1000  }
0x50: {  	[sflag:s21] =	ssyncset.done $0x0  }
0x51: {  	[sflag:s21] =	ssyncadd.s32 $0xFFFFF000  }
0x52: {  	_ =	swait.ge [sflag:s21], $0x1000  }
0x53: {  	[sflag:s21] =	ssyncset.done $0x0  }
0x54: {  	[sflag:s21] =	ssyncadd.s32 $0xFFFFF000  }
0x55: {  	_ =	swait.ge [sflag:s21], $0x1000  }
0x56: {  	[sflag:s21] =	ssyncset.done $0x0  }
0x57: {  	[sflag:s21] =	ssyncadd.s32 $0xFFFFF000  }
0x58: {  	_ =	swait.ge [sflag:s21], $0x1000  }
0x59: {  	[sflag:s21] =	ssyncset.done $0x0  }
0x5a: {  	[sflag:s21] =	ssyncadd.s32 $0xFFFFF000  }
0x5b: {  	_ =	swait.ge [sflag:s21], $0x1000  }
0x5c: {  	[sflag:s21] =	ssyncset.done $0x0  }
0x5d: {  	[sflag:s21] =	ssyncadd.s32 $0xFFFFF000  }
0x5e: {  	_ =	swait.ge [sflag:s21], $0x1000  }
.Ltmp1:
0x5f: {  	[sflag:s21] =	ssyncset.done $0x0;
	(pc) =	sbr.rel @p0 .LBB2_1-.Ltmp1, $4  }
0x60: {  	[sflag:s21] =	ssyncadd.s32 $0xFFFFF000  }
0x61: {  	[hbm4b:s22+s2] =	stream.linear.scatter [tilespmem:s7], [sflag:$0x2], $0x8000, $0x38;
	[tilespmem:$0x8400] =	vst v63  }
0x62: {  	_ =	swait.ge [sflag:s3], $0x8000  }
0x63: {  	[sflag:s3] =	ssyncset.done $0x0  }
.LBB2_2:
0x64: {  	[sflag:s3] =	ssyncadd.s32 $0xFFFF8000  }
0x65: {  	_ =	sfence.sel $0x180000  }
0x66: {  	[bflag:$0x0] =	sbarrier.arrive $0xFFFF  }
0x67: {  	p0 =	sne.s32 s0, $0x0;
	_ =	strace $0x90000047  }
0x68: {  	s0 =	sadd.s32 @!p0 $0x100000, s1;
	[bflag:$0x2] =	sbarrier.arrive $0xFFFF  }
0x69: {  	[sflag:s0] =	ssyncadd.tile.s32 @!p0 $0x1;
	_ =	shalt  }
.Lfunc_end2:
_tile_overlayer_lowered:
.L_overlay_start_2:
0x6a: {  	(tag) =	ssettag $0x2  }
0x6b: {  	s0 =	rddreg [dreg:$0x0];
	s2 =	stileid.u32  }
0x6c: {  	s1 =	rddreg [dreg:$0x1];
	p0 =	sne.s32 s2, $0x0  }
0x6d: {  	s3 =	rddreg [dreg:$0x2];
	[bflag:$0x3] =	sbarrier.arrive $0xFFFF;
	s2 =	simm.s32 @!p0 $0x1C02  }
0x6e: {  	[timem:s3], [sflag:s2] =	dma.local @!p0 [hbm:s0], s1  }
0x6f: {  	s0 =	simm.s32 @!p0 $0x2  }
0x70: {  	_ =	swait.ge @!p0 [sflag:s0], s1  }
0x71: {  	s1 =	ssub.s32 @!p0 $0x0, s1;
	[sflag:s0] =	ssyncset.done @!p0 $0x0  }
0x72: {  	[sflag:s0] =	ssyncadd.s32 @!p0 s1  }
0x73: {  	[bflag:$0x3] =	sbarrier.arrive $0xFFFF  }
0x74: {  	_ =	shalt  }

</sc_bundles>
